<compile_context>
chip_gen: v7x
topology: tpu7x:2x2x1
jax: 0.10.2.dev20260603
libtpu: 0.0.44.dev20260713+nightly
codegen_flags: <defaults>
</compile_context>

<pallas_src>
import functools

import jax
import jax.numpy as jnp
from jax import lax
from jax.experimental import pallas as pl
from jax.experimental.pallas import tpu as pltpu
from jax.experimental.pallas import tpu_sc as plsc

NUM_NODES = 100000
H_DIM = 128

NC = 2
NS = 16
NW = NC * NS

CHUNK = 128
K0 = 29
K1 = 21

FULL_CHUNKS = NUM_NODES // CHUNK
TAIL_ROWS = NUM_NODES - FULL_CHUNKS * CHUNK

LAST_BASE = (NS * K0 + (NS - 1) * K1) * CHUNK
LAST_VALID = NUM_NODES - LAST_BASE
LAST_JUNK = 96

NBUF = 6
LEAD = 3

LANES = 16


def _build():
    mesh = plsc.VectorSubcoreMesh(core_axis_name="c", subcore_axis_name="s")

    @functools.partial(
        pl.kernel,
        out_type=jax.ShapeDtypeStruct((NUM_NODES, H_DIM), jnp.float32),
        mesh=mesh,
        scratch_types=[
            pltpu.VMEM((K0 * CHUNK,), jnp.int32),
            pltpu.VMEM((NBUF, CHUNK, H_DIM), jnp.float32),
            pltpu.SemaphoreType.DMA((NBUF,)),
            pltpu.SemaphoreType.DMA((NBUF,)),
        ],
    )
    def gather_kernel(table_hbm, idx_hbm, out_hbm, idx_v, rows_v, gsem, osem):
        cix = lax.axis_index("c")
        six = lax.axis_index("s")
        on_c0 = cix == 0
        k = jnp.where(on_c0, K0, K1)
        c0 = jnp.where(on_c0, six * K0, NS * K0 + six * K1)
        last = jnp.logical_and(cix == 1, six == NS - 1)

        @pl.when(on_c0)
        def _():
            pltpu.sync_copy(idx_hbm.at[pl.ds(c0 * CHUNK, K0 * CHUNK)], idx_v)

        @pl.when(jnp.logical_and(cix == 1, jnp.logical_not(last)))
        def _():
            pltpu.sync_copy(
                idx_hbm.at[pl.ds(c0 * CHUNK, K1 * CHUNK)],
                idx_v.at[pl.ds(0, K1 * CHUNK)],
            )

        @pl.when(last)
        def _():
            pltpu.sync_copy(
                idx_hbm.at[pl.ds(LAST_BASE, LAST_VALID)],
                idx_v.at[pl.ds(0, LAST_VALID)],
            )
            for kk in range(LAST_JUNK // LANES):
                idx_v[pl.ds(LAST_VALID + kk * LANES, LANES)] = jnp.zeros(
                    (LANES,), jnp.int32
                )

        def fire_gather(j):
            @pl.when(c0 + j <= FULL_CHUNKS)
            def _():
                b = lax.rem(j, NBUF)
                pltpu.async_copy(
                    table_hbm.at[idx_v.at[pl.ds(j * CHUNK, CHUNK)]],
                    rows_v.at[b],
                    gsem.at[b],
                )

        for j in range(LEAD):
            fire_gather(j)

        @pl.loop(0, k)
        def _(j):
            b = lax.rem(j, NBUF)
            c = c0 + j

            @pl.when(j + LEAD < k)
            def _():
                @pl.when(
                    jnp.logical_and(j - LEAD >= 0, c - LEAD < FULL_CHUNKS)
                )
                def _():
                    b2 = lax.rem(j + LEAD, NBUF)
                    pltpu.make_async_copy(
                        rows_v.at[b2],
                        out_hbm.at[pl.ds((c - LEAD) * CHUNK, CHUNK)],
                        osem.at[b2],
                    ).wait()

                fire_gather(j + LEAD)

            @pl.when(c <= FULL_CHUNKS)
            def _():
                pltpu.make_async_copy(
                    table_hbm.at[idx_v.at[pl.ds(j * CHUNK, CHUNK)]],
                    rows_v.at[b],
                    gsem.at[b],
                ).wait()

            @pl.when(c < FULL_CHUNKS)
            def _():
                pltpu.async_copy(
                    rows_v.at[b], out_hbm.at[pl.ds(c * CHUNK, CHUNK)],
                    osem.at[b],
                )

            @pl.when(c == FULL_CHUNKS)
            def _():
                pltpu.sync_copy(
                    rows_v.at[b].at[pl.ds(0, TAIL_ROWS)],
                    out_hbm.at[pl.ds(FULL_CHUNKS * CHUNK, TAIL_ROWS)],
                )

        def drain(j):
            @pl.when(c0 + j < FULL_CHUNKS)
            def _():
                b = j % NBUF
                pltpu.make_async_copy(
                    rows_v.at[b],
                    out_hbm.at[pl.ds((c0 + j) * CHUNK, CHUNK)],
                    osem.at[b],
                ).wait()

        @pl.when(on_c0)
        def _():
            for j in range(K0 - NBUF, K0):
                drain(j)

        @pl.when(jnp.logical_not(on_c0))
        def _():
            for j in range(K1 - NBUF, K1):
                drain(j)

    return gather_kernel


_GATHER = _build()


@jax.jit
def kernel(node_id, weight):
    return _GATHER(weight, node_id.reshape(NUM_NODES))

# --- scband reference (transcript-rebuilt; emitter-appended) ---
"""Pipeline reference for scband-embedding-layer-26998164423440 (READ-ONLY COPY).

The authoritative reference and input builder live on the scoring server;
editing this copy changes nothing except your own understanding.
"""

import jax, jax.numpy as jnp
import numpy as np

NUM_NODES = 100000
H_DIM = 128

def setup_inputs(seed: int = 0) -> dict:
    key = jax.random.key(seed)
    k_idx, k_w = jax.random.split(key)
    node_id = jax.random.randint(k_idx, (NUM_NODES, 1), 0, NUM_NODES, dtype=jnp.int64 if jax.config.jax_enable_x64 else jnp.int32).astype(jnp.int32)
    # xavier_normal_ init: std = sqrt(2 / (fan_in + fan_out))
    std = float(np.sqrt(2.0 / (NUM_NODES + H_DIM)))
    weight = jax.random.normal(k_w, (NUM_NODES, H_DIM), dtype=jnp.float32) * std
    # padding_idx=0: row 0 is zero in torch.nn.Embedding semantics after init?
    # torch zeroes the padding row at construction; xavier_normal_ overwrites it,
    # but Embedding keeps padding semantics for gradients. We keep the row as-is
    # for forward fidelity to the torch code (xavier overwrote the zeros).
    return {"node_id": node_id, "weight": weight}

def reference(node_id, weight):
    # g.ndata['id'].squeeze(1) -> [N]; embedding lookup -> [N, H_DIM]
    idx = jnp.squeeze(node_id, axis=1)
    h = jnp.take(weight, idx, axis=0)
    return h

if __name__ == "__main__":
    import jax
    _d = setup_inputs()
    print(jax.jit(kernel)(*tuple(_d.values())))

</pallas_src>

<mosaic_0001>
#map = affine_map<(d0, d1) -> (0, 0)>
#map1 = affine_map<(d0, d1) -> (0)>
module attributes {stable_mosaic.version = 14 : i64} {
  func.func @gather_kernel(%arg0: i32, %arg1: i32, %arg2: memref<100000x128xf32, #tpu.memory_space<hbm>>, %arg3: memref<100000xi32, #tpu.memory_space<hbm>>, %arg4: memref<100000x128xf32, #tpu.memory_space<hbm>>, %arg5: memref<3712xi32, #tpu.memory_space<vmem>>, %arg6: memref<6x128x128xf32, #tpu.memory_space<vmem>>, %arg7: memref<6x!tpu.dma_semaphore, #tpu.memory_space<semaphore_mem>>, %arg8: memref<6x!tpu.dma_semaphore, #tpu.memory_space<semaphore_mem>>) attributes {dimension_semantics = [#tpu.dimension_semantics<core_parallel>, #tpu.dimension_semantics<subcore_parallel>], iteration_bounds = array<i64: 2, 16>, scalar_prefetch = 0 : i64, scratch_operands = 4 : i64, tpu.core_type = #tpu.core_type<sc_vector_subcore>, window_params = [{transform_indices = #map}, {transform_indices = #map1}, {transform_indices = #map}]} {
    %eq3A = arith.constant 0 : i32
    %eq3A_0 = arith.cmpi eq, %arg0, %eq3A : i32
    %jit3A = arith.constant 29 : i32
    %jit3A_1 = arith.constant 21 : i32
    %select_n3A = arith.select %eq3A_0, %jit3A, %jit3A_1 : i32
    %mul3A = arith.constant 29 : i32
    %mul3A_2 = arith.muli %arg1, %mul3A : i32
    %mul3A_3 = arith.constant 21 : i32
    %mul3A_4 = arith.muli %arg1, %mul3A_3 : i32
    %add3A = arith.constant 464 : i32
    %add3A_5 = arith.addi %add3A, %mul3A_4 : i32
    %select_n3A_6 = arith.select %eq3A_0, %mul3A_2, %add3A_5 : i32
    %eq3A_7 = arith.constant 1 : i32
    %eq3A_8 = arith.cmpi eq, %arg0, %eq3A_7 : i32
    %eq3A_9 = arith.constant 15 : i32
    %eq3A_10 = arith.cmpi eq, %arg1, %eq3A_9 : i32
    %and3A = arith.andi %eq3A_8, %eq3A_10 : i1
    %convert_element_type3A = arith.extui %eq3A_0 : i1 to i32
    %cond3A = arith.constant 0 : i32
    %cond3A_11 = arith.cmpi ne, %convert_element_type3A, %cond3A : i32
    scf.if %cond3A_11 {
      %mul3A_66 = arith.constant 128 : i32
      %mul3A_67 = arith.muli %select_n3A_6, %mul3A_66 : i32
      "tpu.region"() ({
        %run_scoped3A = tpu.sem_alloc : memref<!tpu.dma_semaphore, #tpu.memory_space<semaphore_mem>>
        %dma_start3A = tpu.memref_slice %arg3[%mul3A_67] : memref<100000xi32, #tpu.memory_space<hbm>> -> memref<3712xi32, #tpu.memory_space<hbm>>
        %dma_start3A_68 = tpu.memref_slice %arg3[%mul3A_67] : memref<100000xi32, #tpu.memory_space<hbm>> -> memref<3712xi32, #tpu.memory_space<hbm>>
        tpu.enqueue_dma source(%dma_start3A_68 : memref<3712xi32, #tpu.memory_space<hbm>>) target(%arg5 : memref<3712xi32, #tpu.memory_space<vmem>>) target_semaphore(%run_scoped3A : memref<!tpu.dma_semaphore, #tpu.memory_space<semaphore_mem>>)
        %dma_wait3A = tpu.memref_slice %arg3[%mul3A_67] : memref<100000xi32, #tpu.memory_space<hbm>> -> memref<3712xi32, #tpu.memory_space<hbm>>
        %dma_wait3A_69 = tpu.memref_slice %arg3[%mul3A_67] : memref<100000xi32, #tpu.memory_space<hbm>> -> memref<3712xi32, #tpu.memory_space<hbm>>
        tpu.wait_dma2 semaphore(%run_scoped3A : memref<!tpu.dma_semaphore, #tpu.memory_space<semaphore_mem>>) src(%dma_wait3A_69 : memref<3712xi32, #tpu.memory_space<hbm>>) dst(%arg5 : memref<3712xi32, #tpu.memory_space<vmem>>)
        tpu.yield
      }) : () -> ()
    } else {
    }
    %eq3A_12 = arith.constant 1 : i32
    %eq3A_13 = arith.cmpi eq, %arg0, %eq3A_12 : i32
    %not3A = arith.constant true
    %not3A_14 = arith.xori %and3A, %not3A : i1
    %and3A_15 = arith.andi %eq3A_13, %not3A_14 : i1
    %convert_element_type3A_16 = arith.extui %and3A_15 : i1 to i32
    %cond3A_17 = arith.constant 0 : i32
    %cond3A_18 = arith.cmpi ne, %convert_element_type3A_16, %cond3A_17 : i32
    scf.if %cond3A_18 {
      %mul3A_66 = arith.constant 128 : i32
      %mul3A_67 = arith.muli %select_n3A_6, %mul3A_66 : i32
      "tpu.region"() ({
        %run_scoped3A = tpu.sem_alloc : memref<!tpu.dma_semaphore, #tpu.memory_space<semaphore_mem>>
        %dma_start3A = arith.constant 0 : i32
        %dma_start3A_68 = tpu.memref_slice %arg5[%dma_start3A] : memref<3712xi32, #tpu.memory_space<vmem>> -> memref<2688xi32, #tpu.memory_space<vmem>>
        %dma_start3A_69 = tpu.memref_slice %arg3[%mul3A_67] : memref<100000xi32, #tpu.memory_space<hbm>> -> memref<2688xi32, #tpu.memory_space<hbm>>
        %dma_start3A_70 = arith.constant 0 : i32
        %dma_start3A_71 = tpu.memref_slice %arg5[%dma_start3A_70] : memref<3712xi32, #tpu.memory_space<vmem>> -> memref<2688xi32, #tpu.memory_space<vmem>>
        %dma_start3A_72 = tpu.memref_slice %arg3[%mul3A_67] : memref<100000xi32, #tpu.memory_space<hbm>> -> memref<2688xi32, #tpu.memory_space<hbm>>
        tpu.enqueue_dma source(%dma_start3A_72 : memref<2688xi32, #tpu.memory_space<hbm>>) target(%dma_start3A_71 : memref<2688xi32, #tpu.memory_space<vmem>>) target_semaphore(%run_scoped3A : memref<!tpu.dma_semaphore, #tpu.memory_space<semaphore_mem>>)
        %dma_wait3A = arith.constant 0 : i32
        %dma_wait3A_73 = tpu.memref_slice %arg5[%dma_wait3A] : memref<3712xi32, #tpu.memory_space<vmem>> -> memref<2688xi32, #tpu.memory_space<vmem>>
        %dma_wait3A_74 = tpu.memref_slice %arg3[%mul3A_67] : memref<100000xi32, #tpu.memory_space<hbm>> -> memref<2688xi32, #tpu.memory_space<hbm>>
        %dma_wait3A_75 = arith.constant 0 : i32
        %dma_wait3A_76 = tpu.memref_slice %arg5[%dma_wait3A_75] : memref<3712xi32, #tpu.memory_space<vmem>> -> memref<2688xi32, #tpu.memory_space<vmem>>
        %dma_wait3A_77 = tpu.memref_slice %arg3[%mul3A_67] : memref<100000xi32, #tpu.memory_space<hbm>> -> memref<2688xi32, #tpu.memory_space<hbm>>
        tpu.wait_dma2 semaphore(%run_scoped3A : memref<!tpu.dma_semaphore, #tpu.memory_space<semaphore_mem>>) src(%dma_wait3A_77 : memref<2688xi32, #tpu.memory_space<hbm>>) dst(%dma_wait3A_76 : memref<2688xi32, #tpu.memory_space<vmem>>)
        tpu.yield
      }) : () -> ()
    } else {
    }
    %convert_element_type3A_19 = arith.extui %and3A : i1 to i32
    %cond3A_20 = arith.constant 0 : i32
    %cond3A_21 = arith.cmpi ne, %convert_element_type3A_19, %cond3A_20 : i32
    scf.if %cond3A_21 {
      "tpu.region"() ({
        %run_scoped3A = tpu.sem_alloc : memref<!tpu.dma_semaphore, #tpu.memory_space<semaphore_mem>>
        %dma_start3A = arith.constant 0 : i32
        %dma_start3A_100 = tpu.memref_slice %arg5[%dma_start3A] : memref<3712xi32, #tpu.memory_space<vmem>> -> memref<288xi32, #tpu.memory_space<vmem>>
        %dma_start3A_101 = arith.constant 99712 : i32
        %dma_start3A_102 = tpu.memref_slice %arg3[%dma_start3A_101] : memref<100000xi32, #tpu.memory_space<hbm>> -> memref<288xi32, #tpu.memory_space<hbm>>
        %dma_start3A_103 = arith.constant 0 : i32
        %dma_start3A_104 = tpu.memref_slice %arg5[%dma_start3A_103] : memref<3712xi32, #tpu.memory_space<vmem>> -> memref<288xi32, #tpu.memory_space<vmem>>
        %dma_start3A_105 = arith.constant 99712 : i32
        %dma_start3A_106 = tpu.memref_slice %arg3[%dma_start3A_105] : memref<100000xi32, #tpu.memory_space<hbm>> -> memref<288xi32, #tpu.memory_space<hbm>>
        tpu.enqueue_dma source(%dma_start3A_106 : memref<288xi32, #tpu.memory_space<hbm>>) target(%dma_start3A_104 : memref<288xi32, #tpu.memory_space<vmem>>) target_semaphore(%run_scoped3A : memref<!tpu.dma_semaphore, #tpu.memory_space<semaphore_mem>>)
        %dma_wait3A = arith.constant 0 : i32
        %dma_wait3A_107 = tpu.memref_slice %arg5[%dma_wait3A] : memref<3712xi32, #tpu.memory_space<vmem>> -> memref<288xi32, #tpu.memory_space<vmem>>
        %dma_wait3A_108 = arith.constant 99712 : i32
        %dma_wait3A_109 = tpu.memref_slice %arg3[%dma_wait3A_108] : memref<100000xi32, #tpu.memory_space<hbm>> -> memref<288xi32, #tpu.memory_space<hbm>>
        %dma_wait3A_110 = arith.constant 0 : i32
        %dma_wait3A_111 = tpu.memref_slice %arg5[%dma_wait3A_110] : memref<3712xi32, #tpu.memory_space<vmem>> -> memref<288xi32, #tpu.memory_space<vmem>>
        %dma_wait3A_112 = arith.constant 99712 : i32
        %dma_wait3A_113 = tpu.memref_slice %arg3[%dma_wait3A_112] : memref<100000xi32, #tpu.memory_space<hbm>> -> memref<288xi32, #tpu.memory_space<hbm>>
        tpu.wait_dma2 semaphore(%run_scoped3A : memref<!tpu.dma_semaphore, #tpu.memory_space<semaphore_mem>>) src(%dma_wait3A_113 : memref<288xi32, #tpu.memory_space<hbm>>) dst(%dma_wait3A_111 : memref<288xi32, #tpu.memory_space<vmem>>)
        tpu.yield
      }) : () -> ()
      %broadcast_in_dim3A = arith.constant 0 : i32
      %broadcast_in_dim3A_66 = vector.broadcast %broadcast_in_dim3A : i32 to vector<16xi32>
      %swap3A = arith.constant 288 : index
      %swap3A_67 = tpu.vector_load %arg5[%swap3A] {strides = array<i32>} : memref<3712xi32, #tpu.memory_space<vmem>>, vector<16xi32>,
      %swap3A_68 = vector.shape_cast %swap3A_67 : vector<16xi32> to vector<16xi32>
      %swap3A_69 = vector.shape_cast %broadcast_in_dim3A_66 : vector<16xi32> to vector<16xi32>
      tpu.vector_store %arg5[%swap3A], %swap3A_69 {strides = array<i32>} : memref<3712xi32, #tpu.memory_space<vmem>>, vector<16xi32>,
      %broadcast_in_dim3A_70 = arith.constant 0 : i32
      %broadcast_in_dim3A_71 = vector.broadcast %broadcast_in_dim3A_70 : i32 to vector<16xi32>
      %swap3A_72 = arith.constant 304 : index
      %swap3A_73 = tpu.vector_load %arg5[%swap3A_72] {strides = array<i32>} : memref<3712xi32, #tpu.memory_space<vmem>>, vector<16xi32>,
      %swap3A_74 = vector.shape_cast %swap3A_73 : vector<16xi32> to vector<16xi32>
      %swap3A_75 = vector.shape_cast %broadcast_in_dim3A_71 : vector<16xi32> to vector<16xi32>
      tpu.vector_store %arg5[%swap3A_72], %swap3A_75 {strides = array<i32>} : memref<3712xi32, #tpu.memory_space<vmem>>, vector<16xi32>,
      %broadcast_in_dim3A_76 = arith.constant 0 : i32
      %broadcast_in_dim3A_77 = vector.broadcast %broadcast_in_dim3A_76 : i32 to vector<16xi32>
      %swap3A_78 = arith.constant 320 : index
      %swap3A_79 = tpu.vector_load %arg5[%swap3A_78] {strides = array<i32>} : memref<3712xi32, #tpu.memory_space<vmem>>, vector<16xi32>,
      %swap3A_80 = vector.shape_cast %swap3A_79 : vector<16xi32> to vector<16xi32>
      %swap3A_81 = vector.shape_cast %broadcast_in_dim3A_77 : vector<16xi32> to vector<16xi32>
      tpu.vector_store %arg5[%swap3A_78], %swap3A_81 {strides = array<i32>} : memref<3712xi32, #tpu.memory_space<vmem>>, vector<16xi32>,
      %broadcast_in_dim3A_82 = arith.constant 0 : i32
      %broadcast_in_dim3A_83 = vector.broadcast %broadcast_in_dim3A_82 : i32 to vector<16xi32>
      %swap3A_84 = arith.constant 336 : index
      %swap3A_85 = tpu.vector_load %arg5[%swap3A_84] {strides = array<i32>} : memref<3712xi32, #tpu.memory_space<vmem>>, vector<16xi32>,
      %swap3A_86 = vector.shape_cast %swap3A_85 : vector<16xi32> to vector<16xi32>
      %swap3A_87 = vector.shape_cast %broadcast_in_dim3A_83 : vector<16xi32> to vector<16xi32>
      tpu.vector_store %arg5[%swap3A_84], %swap3A_87 {strides = array<i32>} : memref<3712xi32, #tpu.memory_space<vmem>>, vector<16xi32>,
      %broadcast_in_dim3A_88 = arith.constant 0 : i32
      %broadcast_in_dim3A_89 = vector.broadcast %broadcast_in_dim3A_88 : i32 to vector<16xi32>
      %swap3A_90 = arith.constant 352 : index
      %swap3A_91 = tpu.vector_load %arg5[%swap3A_90] {strides = array<i32>} : memref<3712xi32, #tpu.memory_space<vmem>>, vector<16xi32>,
      %swap3A_92 = vector.shape_cast %swap3A_91 : vector<16xi32> to vector<16xi32>
      %swap3A_93 = vector.shape_cast %broadcast_in_dim3A_89 : vector<16xi32> to vector<16xi32>
      tpu.vector_store %arg5[%swap3A_90], %swap3A_93 {strides = array<i32>} : memref<3712xi32, #tpu.memory_space<vmem>>, vector<16xi32>,
      %broadcast_in_dim3A_94 = arith.constant 0 : i32
      %broadcast_in_dim3A_95 = vector.broadcast %broadcast_in_dim3A_94 : i32 to vector<16xi32>
      %swap3A_96 = arith.constant 368 : index
      %swap3A_97 = tpu.vector_load %arg5[%swap3A_96] {strides = array<i32>} : memref<3712xi32, #tpu.memory_space<vmem>>, vector<16xi32>,
      %swap3A_98 = vector.shape_cast %swap3A_97 : vector<16xi32> to vector<16xi32>
      %swap3A_99 = vector.shape_cast %broadcast_in_dim3A_95 : vector<16xi32> to vector<16xi32>
      tpu.vector_store %arg5[%swap3A_96], %swap3A_99 {strides = array<i32>} : memref<3712xi32, #tpu.memory_space<vmem>>, vector<16xi32>,
    } else {
    }
    %add3A_22 = arith.constant 0 : i32
    %add3A_23 = arith.addi %select_n3A_6, %add3A_22 : i32
    %le3A = arith.constant 781 : i32
    %le3A_24 = arith.cmpi sle, %add3A_23, %le3A : i32
    %convert_element_type3A_25 = arith.extui %le3A_24 : i1 to i32
    %cond3A_26 = arith.constant 0 : i32
    %cond3A_27 = arith.cmpi ne, %convert_element_type3A_25, %cond3A_26 : i32
    scf.if %cond3A_27 {
      %rem3A = arith.constant 0 : i32
      %rem3A_66 = arith.constant 6 : i32
      %rem3A_67 = arith.remsi %rem3A, %rem3A_66 : i32
      %dma_start3A = arith.constant 0 : i32
      %dma_start3A_68 = arith.constant 0 : i32
      %dma_start3A_69 = tpu.memref_slice %arg6[%rem3A_67, %dma_start3A, %dma_start3A_68] : memref<6x128x128xf32, #tpu.memory_space<vmem>> -> memref<1x128x128xf32, #tpu.memory_space<vmem>>
      %dma_start3A_70 = tpu.memref_squeeze %dma_start3A_69 : memref<1x128x128xf32, #tpu.memory_space<vmem>> -> memref<128x128xf32, #tpu.memory_space<vmem>>
      %dma_start3A_71 = arith.constant 0 : i32
      %dma_start3A_72 = tpu.memref_slice %arg5[%dma_start3A_71] : memref<3712xi32, #tpu.memory_space<vmem>> -> memref<128xi32, #tpu.memory_space<vmem>>
      %dma_start3A_73 = arith.constant 0 : i32
      %dma_start3A_74 = arith.constant 0 : i32
      %dma_start3A_75 = tpu.memref_slice %arg2[%dma_start3A_73, %dma_start3A_74] : memref<100000x128xf32, #tpu.memory_space<hbm>> -> memref<100000x128xf32, #tpu.memory_space<hbm>>
      %dma_start3A_76 = tpu.memref_slice %arg7[%rem3A_67] : memref<6x!tpu.dma_semaphore, #tpu.memory_space<semaphore_mem>> -> memref<1x!tpu.dma_semaphore, #tpu.memory_space<semaphore_mem>>
      %dma_start3A_77 = tpu.memref_squeeze %dma_start3A_76 : memref<1x!tpu.dma_semaphore, #tpu.memory_space<semaphore_mem>> -> memref<!tpu.dma_semaphore, #tpu.memory_space<semaphore_mem>>
      tpu.enqueue_indirect_dma source(%dma_start3A_75 : memref<100000x128xf32, #tpu.memory_space<hbm>>) target(%dma_start3A_70 : memref<128x128xf32, #tpu.memory_space<vmem>>) offsets(%dma_start3A_72 : memref<128xi32, #tpu.memory_space<vmem>>) semaphore(%dma_start3A_77 : memref<!tpu.dma_semaphore, #tpu.memory_space<semaphore_mem>>)
    } else {
    }
    %add3A_28 = arith.constant 1 : i32
    %add3A_29 = arith.addi %select_n3A_6, %add3A_28 : i32
    %le3A_30 = arith.constant 781 : i32
    %le3A_31 = arith.cmpi sle, %add3A_29, %le3A_30 : i32
    %convert_element_type3A_32 = arith.extui %le3A_31 : i1 to i32
    %cond3A_33 = arith.constant 0 : i32
    %cond3A_34 = arith.cmpi ne, %convert_element_type3A_32, %cond3A_33 : i32
    scf.if %cond3A_34 {
      %rem3A = arith.constant 1 : i32
      %rem3A_66 = arith.constant 6 : i32
      %rem3A_67 = arith.remsi %rem3A, %rem3A_66 : i32
      %dma_start3A = arith.constant 0 : i32
      %dma_start3A_68 = arith.constant 0 : i32
      %dma_start3A_69 = tpu.memref_slice %arg6[%rem3A_67, %dma_start3A, %dma_start3A_68] : memref<6x128x128xf32, #tpu.memory_space<vmem>> -> memref<1x128x128xf32, #tpu.memory_space<vmem>>
      %dma_start3A_70 = tpu.memref_squeeze %dma_start3A_69 : memref<1x128x128xf32, #tpu.memory_space<vmem>> -> memref<128x128xf32, #tpu.memory_space<vmem>>
      %dma_start3A_71 = arith.constant 128 : i32
      %dma_start3A_72 = tpu.memref_slice %arg5[%dma_start3A_71] : memref<3712xi32, #tpu.memory_space<vmem>> -> memref<128xi32, #tpu.memory_space<vmem>>
      %dma_start3A_73 = arith.constant 0 : i32
      %dma_start3A_74 = arith.constant 0 : i32
      %dma_start3A_75 = tpu.memref_slice %arg2[%dma_start3A_73, %dma_start3A_74] : memref<100000x128xf32, #tpu.memory_space<hbm>> -> memref<100000x128xf32, #tpu.memory_space<hbm>>
      %dma_start3A_76 = tpu.memref_slice %arg7[%rem3A_67] : memref<6x!tpu.dma_semaphore, #tpu.memory_space<semaphore_mem>> -> memref<1x!tpu.dma_semaphore, #tpu.memory_space<semaphore_mem>>
      %dma_start3A_77 = tpu.memref_squeeze %dma_start3A_76 : memref<1x!tpu.dma_semaphore, #tpu.memory_space<semaphore_mem>> -> memref<!tpu.dma_semaphore, #tpu.memory_space<semaphore_mem>>
      tpu.enqueue_indirect_dma source(%dma_start3A_75 : memref<100000x128xf32, #tpu.memory_space<hbm>>) target(%dma_start3A_70 : memref<128x128xf32, #tpu.memory_space<vmem>>) offsets(%dma_start3A_72 : memref<128xi32, #tpu.memory_space<vmem>>) semaphore(%dma_start3A_77 : memref<!tpu.dma_semaphore, #tpu.memory_space<semaphore_mem>>)
    } else {
    }
    %add3A_35 = arith.constant 2 : i32
    %add3A_36 = arith.addi %select_n3A_6, %add3A_35 : i32
    %le3A_37 = arith.constant 781 : i32
    %le3A_38 = arith.cmpi sle, %add3A_36, %le3A_37 : i32
    %convert_element_type3A_39 = arith.extui %le3A_38 : i1 to i32
    %cond3A_40 = arith.constant 0 : i32
    %cond3A_41 = arith.cmpi ne, %convert_element_type3A_39, %cond3A_40 : i32
    scf.if %cond3A_41 {
      %rem3A = arith.constant 2 : i32
      %rem3A_66 = arith.constant 6 : i32
      %rem3A_67 = arith.remsi %rem3A, %rem3A_66 : i32
      %dma_start3A = arith.constant 0 : i32
      %dma_start3A_68 = arith.constant 0 : i32
      %dma_start3A_69 = tpu.memref_slice %arg6[%rem3A_67, %dma_start3A, %dma_start3A_68] : memref<6x128x128xf32, #tpu.memory_space<vmem>> -> memref<1x128x128xf32, #tpu.memory_space<vmem>>
      %dma_start3A_70 = tpu.memref_squeeze %dma_start3A_69 : memref<1x128x128xf32, #tpu.memory_space<vmem>> -> memref<128x128xf32, #tpu.memory_space<vmem>>
      %dma_start3A_71 = arith.constant 256 : i32
      %dma_start3A_72 = tpu.memref_slice %arg5[%dma_start3A_71] : memref<3712xi32, #tpu.memory_space<vmem>> -> memref<128xi32, #tpu.memory_space<vmem>>
      %dma_start3A_73 = arith.constant 0 : i32
      %dma_start3A_74 = arith.constant 0 : i32
      %dma_start3A_75 = tpu.memref_slice %arg2[%dma_start3A_73, %dma_start3A_74] : memref<100000x128xf32, #tpu.memory_space<hbm>> -> memref<100000x128xf32, #tpu.memory_space<hbm>>
      %dma_start3A_76 = tpu.memref_slice %arg7[%rem3A_67] : memref<6x!tpu.dma_semaphore, #tpu.memory_space<semaphore_mem>> -> memref<1x!tpu.dma_semaphore, #tpu.memory_space<semaphore_mem>>
      %dma_start3A_77 = tpu.memref_squeeze %dma_start3A_76 : memref<1x!tpu.dma_semaphore, #tpu.memory_space<semaphore_mem>> -> memref<!tpu.dma_semaphore, #tpu.memory_space<semaphore_mem>>
      tpu.enqueue_indirect_dma source(%dma_start3A_75 : memref<100000x128xf32, #tpu.memory_space<hbm>>) target(%dma_start3A_70 : memref<128x128xf32, #tpu.memory_space<vmem>>) offsets(%dma_start3A_72 : memref<128xi32, #tpu.memory_space<vmem>>) semaphore(%dma_start3A_77 : memref<!tpu.dma_semaphore, #tpu.memory_space<semaphore_mem>>)
    } else {
    }
    %sub3A = arith.constant 0 : i32
    %sub3A_42 = arith.subi %select_n3A, %sub3A : i32
    %sub3A_43 = arith.constant 1 : i32
    %sub3A_44 = arith.constant 1 : i32
    %sub3A_45 = arith.subi %sub3A_43, %sub3A_44 : i32
    %add3A_46 = arith.addi %sub3A_42, %sub3A_45 : i32
    %div3A = arith.constant 1 : i32
    %div3A_47 = arith.divsi %add3A_46, %div3A : i32
    %while3A = arith.constant 1 : i32
    %while3A_48 = arith.constant 0 : i32
    %while3A_49 = arith.constant 0 : i32
    %while3A_50 = arith.subi %div3A_47, %while3A_49 : i32
    %while3A_51 = arith.addi %while3A_49, %while3A_50 : i32
    %while3A_52 = arith.constant 1 : i32
    %while3A_53 = arith.divsi %while3A_50, %while3A_52 : i32
    %while3A_54 = arith.muli %while3A_53, %while3A_52 : i32
    %while3A_55 = arith.addi %while3A_49, %while3A_54 : i32
    %while3A_56 = arith.constant 1 : i32
    scf.for %while3A_66 = %while3A_49 to %while3A_55 step %while3A_56  : i32 {
      %mul3A_67 = arith.muli %while3A_66, %while3A : i32
      %add3A_68 = arith.addi %while3A_48, %mul3A_67 : i32
      %rem3A = arith.constant 6 : i32
      %rem3A_69 = arith.remsi %add3A_68, %rem3A : i32
      %add3A_70 = arith.addi %select_n3A_6, %add3A_68 : i32
      %add3A_71 = arith.constant 3 : i32
      %add3A_72 = arith.addi %add3A_68, %add3A_71 : i32
      %lt3A = arith.cmpi slt, %add3A_72, %select_n3A : i32
      %convert_element_type3A_73 = arith.extui %lt3A : i1 to i32
      %cond3A_74 = arith.constant 0 : i32
      %cond3A_75 = arith.cmpi ne, %convert_element_type3A_73, %cond3A_74 : i32
      scf.if %cond3A_75 {
        %sub3A_91 = arith.constant 3 : i32
        %sub3A_92 = arith.subi %add3A_68, %sub3A_91 : i32
        %ge3A = arith.constant 0 : i32
        %ge3A_93 = arith.cmpi sge, %sub3A_92, %ge3A : i32
        %sub3A_94 = arith.constant 3 : i32
        %sub3A_95 = arith.subi %add3A_70, %sub3A_94 : i32
        %lt3A_96 = arith.constant 781 : i32
        %lt3A_97 = arith.cmpi slt, %sub3A_95, %lt3A_96 : i32
        %and3A_98 = arith.andi %ge3A_93, %lt3A_97 : i1
        %convert_element_type3A_99 = arith.extui %and3A_98 : i1 to i32
        %cond3A_100 = arith.constant 0 : i32
        %cond3A_101 = arith.cmpi ne, %convert_element_type3A_99, %cond3A_100 : i32
        scf.if %cond3A_101 {
          %add3A_110 = arith.constant 3 : i32
          %add3A_111 = arith.addi %add3A_68, %add3A_110 : i32
          %rem3A_112 = arith.constant 6 : i32
          %rem3A_113 = arith.remsi %add3A_111, %rem3A_112 : i32
          %sub3A_114 = arith.constant 3 : i32
          %sub3A_115 = arith.subi %add3A_70, %sub3A_114 : i32
          %mul3A_116 = arith.constant 128 : i32
          %mul3A_117 = arith.muli %sub3A_115, %mul3A_116 : i32
          %dma_wait3A = arith.constant 0 : i32
          %dma_wait3A_118 = arith.constant 0 : i32
          %dma_wait3A_119 = tpu.memref_slice %arg6[%rem3A_113, %dma_wait3A, %dma_wait3A_118] : memref<6x128x128xf32, #tpu.memory_space<vmem>> -> memref<1x128x128xf32, #tpu.memory_space<vmem>>
          %dma_wait3A_120 = tpu.memref_squeeze %dma_wait3A_119 : memref<1x128x128xf32, #tpu.memory_space<vmem>> -> memref<128x128xf32, #tpu.memory_space<vmem>>
          %dma_wait3A_121 = arith.constant 0 : i32
          %dma_wait3A_122 = tpu.memref_slice %arg4[%mul3A_117, %dma_wait3A_121] : memref<100000x128xf32, #tpu.memory_space<hbm>> -> memref<128x128xf32, #tpu.memory_space<hbm>>
          %dma_wait3A_123 = tpu.memref_slice %arg8[%rem3A_113] : memref<6x!tpu.dma_semaphore, #tpu.memory_space<semaphore_mem>> -> memref<1x!tpu.dma_semaphore, #tpu.memory_space<semaphore_mem>>
          %dma_wait3A_124 = tpu.memref_squeeze %dma_wait3A_123 : memref<1x!tpu.dma_semaphore, #tpu.memory_space<semaphore_mem>> -> memref<!tpu.dma_semaphore, #tpu.memory_space<semaphore_mem>>
          %dma_wait3A_125 = arith.constant 0 : i32
          %dma_wait3A_126 = tpu.memref_slice %arg4[%mul3A_117, %dma_wait3A_125] : memref<100000x128xf32, #tpu.memory_space<hbm>> -> memref<128x128xf32, #tpu.memory_space<hbm>>
          %dma_wait3A_127 = arith.constant 0 : i32
          %dma_wait3A_128 = arith.constant 0 : i32
          %dma_wait3A_129 = tpu.memref_slice %arg6[%rem3A_113, %dma_wait3A_127, %dma_wait3A_128] : memref<6x128x128xf32, #tpu.memory_space<vmem>> -> memref<1x128x128xf32, #tpu.memory_space<vmem>>
          %dma_wait3A_130 = tpu.memref_squeeze %dma_wait3A_129 : memref<1x128x128xf32, #tpu.memory_space<vmem>> -> memref<128x128xf32, #tpu.memory_space<vmem>>
          tpu.wait_dma2 semaphore(%dma_wait3A_124 : memref<!tpu.dma_semaphore, #tpu.memory_space<semaphore_mem>>) src(%dma_wait3A_130 : memref<128x128xf32, #tpu.memory_space<vmem>>) dst(%dma_wait3A_126 : memref<128x128xf32, #tpu.memory_space<hbm>>)
        } else {
        }
        %add3A_102 = arith.constant 3 : i32
        %add3A_103 = arith.addi %add3A_68, %add3A_102 : i32
        %add3A_104 = arith.addi %select_n3A_6, %add3A_103 : i32
        %le3A_105 = arith.constant 781 : i32
        %le3A_106 = arith.cmpi sle, %add3A_104, %le3A_105 : i32
        %convert_element_type3A_107 = arith.extui %le3A_106 : i1 to i32
        %cond3A_108 = arith.constant 0 : i32
        %cond3A_109 = arith.cmpi ne, %convert_element_type3A_107, %cond3A_108 : i32
        scf.if %cond3A_109 {
          %rem3A_110 = arith.constant 6 : i32
          %rem3A_111 = arith.remsi %add3A_103, %rem3A_110 : i32
          %mul3A_112 = arith.constant 128 : i32
          %mul3A_113 = arith.muli %add3A_103, %mul3A_112 : i32
          %dma_start3A = arith.constant 0 : i32
          %dma_start3A_114 = arith.constant 0 : i32
          %dma_start3A_115 = tpu.memref_slice %arg6[%rem3A_111, %dma_start3A, %dma_start3A_114] : memref<6x128x128xf32, #tpu.memory_space<vmem>> -> memref<1x128x128xf32, #tpu.memory_space<vmem>>
          %dma_start3A_116 = tpu.memref_squeeze %dma_start3A_115 : memref<1x128x128xf32, #tpu.memory_space<vmem>> -> memref<128x128xf32, #tpu.memory_space<vmem>>
          %dma_start3A_117 = tpu.memref_slice %arg5[%mul3A_113] : memref<3712xi32, #tpu.memory_space<vmem>> -> memref<128xi32, #tpu.memory_space<vmem>>
          %dma_start3A_118 = arith.constant 0 : i32
          %dma_start3A_119 = arith.constant 0 : i32
          %dma_start3A_120 = tpu.memref_slice %arg2[%dma_start3A_118, %dma_start3A_119] : memref<100000x128xf32, #tpu.memory_space<hbm>> -> memref<100000x128xf32, #tpu.memory_space<hbm>>
          %dma_start3A_121 = tpu.memref_slice %arg7[%rem3A_111] : memref<6x!tpu.dma_semaphore, #tpu.memory_space<semaphore_mem>> -> memref<1x!tpu.dma_semaphore, #tpu.memory_space<semaphore_mem>>
          %dma_start3A_122 = tpu.memref_squeeze %dma_start3A_121 : memref<1x!tpu.dma_semaphore, #tpu.memory_space<semaphore_mem>> -> memref<!tpu.dma_semaphore, #tpu.memory_space<semaphore_mem>>
          tpu.enqueue_indirect_dma source(%dma_start3A_120 : memref<100000x128xf32, #tpu.memory_space<hbm>>) target(%dma_start3A_116 : memref<128x128xf32, #tpu.memory_space<vmem>>) offsets(%dma_start3A_117 : memref<128xi32, #tpu.memory_space<vmem>>) semaphore(%dma_start3A_122 : memref<!tpu.dma_semaphore, #tpu.memory_space<semaphore_mem>>)
        } else {
        }
      } else {
      }
      %le3A_76 = arith.constant 781 : i32
      %le3A_77 = arith.cmpi sle, %add3A_70, %le3A_76 : i32
      %convert_element_type3A_78 = arith.extui %le3A_77 : i1 to i32
      %cond3A_79 = arith.constant 0 : i32
      %cond3A_80 = arith.cmpi ne, %convert_element_type3A_78, %cond3A_79 : i32
      scf.if %cond3A_80 {
        %mul3A_91 = arith.constant 128 : i32
        %mul3A_92 = arith.muli %add3A_68, %mul3A_91 : i32
        %dma_wait3A = arith.constant 0 : i32
        %dma_wait3A_93 = arith.constant 0 : i32
        %dma_wait3A_94 = tpu.memref_slice %arg6[%rem3A_69, %dma_wait3A, %dma_wait3A_93] : memref<6x128x128xf32, #tpu.memory_space<vmem>> -> memref<1x128x128xf32, #tpu.memory_space<vmem>>
        %dma_wait3A_95 = tpu.memref_squeeze %dma_wait3A_94 : memref<1x128x128xf32, #tpu.memory_space<vmem>> -> memref<128x128xf32, #tpu.memory_space<vmem>>
        %dma_wait3A_96 = tpu.memref_slice %arg5[%mul3A_92] : memref<3712xi32, #tpu.memory_space<vmem>> -> memref<128xi32, #tpu.memory_space<vmem>>
        %dma_wait3A_97 = arith.constant 0 : i32
        %dma_wait3A_98 = arith.constant 0 : i32
        %dma_wait3A_99 = tpu.memref_slice %arg2[%dma_wait3A_97, %dma_wait3A_98] : memref<100000x128xf32, #tpu.memory_space<hbm>> -> memref<100000x128xf32, #tpu.memory_space<hbm>>
        %dma_wait3A_100 = tpu.memref_slice %arg7[%rem3A_69] : memref<6x!tpu.dma_semaphore, #tpu.memory_space<semaphore_mem>> -> memref<1x!tpu.dma_semaphore, #tpu.memory_space<semaphore_mem>>
        %dma_wait3A_101 = tpu.memref_squeeze %dma_wait3A_100 : memref<1x!tpu.dma_semaphore, #tpu.memory_space<semaphore_mem>> -> memref<!tpu.dma_semaphore, #tpu.memory_space<semaphore_mem>>
        tpu.wait_indirect_dma semaphore(%dma_wait3A_101 : memref<!tpu.dma_semaphore, #tpu.memory_space<semaphore_mem>>) src(%dma_wait3A_99 : memref<100000x128xf32, #tpu.memory_space<hbm>>) dst(%dma_wait3A_95 : memref<128x128xf32, #tpu.memory_space<vmem>>)
      } else {
      }
      %lt3A_81 = arith.constant 781 : i32
      %lt3A_82 = arith.cmpi slt, %add3A_70, %lt3A_81 : i32
      %convert_element_type3A_83 = arith.extui %lt3A_82 : i1 to i32
      %cond3A_84 = arith.constant 0 : i32
      %cond3A_85 = arith.cmpi ne, %convert_element_type3A_83, %cond3A_84 : i32
      scf.if %cond3A_85 {
        %mul3A_91 = arith.constant 128 : i32
        %mul3A_92 = arith.muli %add3A_70, %mul3A_91 : i32
        %dma_start3A = arith.constant 0 : i32
        %dma_start3A_93 = arith.constant 0 : i32
        %dma_start3A_94 = tpu.memref_slice %arg6[%rem3A_69, %dma_start3A, %dma_start3A_93] : memref<6x128x128xf32, #tpu.memory_space<vmem>> -> memref<1x128x128xf32, #tpu.memory_space<vmem>>
        %dma_start3A_95 = tpu.memref_squeeze %dma_start3A_94 : memref<1x128x128xf32, #tpu.memory_space<vmem>> -> memref<128x128xf32, #tpu.memory_space<vmem>>
        %dma_start3A_96 = arith.constant 0 : i32
        %dma_start3A_97 = tpu.memref_slice %arg4[%mul3A_92, %dma_start3A_96] : memref<100000x128xf32, #tpu.memory_space<hbm>> -> memref<128x128xf32, #tpu.memory_space<hbm>>
        %dma_start3A_98 = tpu.memref_slice %arg8[%rem3A_69] : memref<6x!tpu.dma_semaphore, #tpu.memory_space<semaphore_mem>> -> memref<1x!tpu.dma_semaphore, #tpu.memory_space<semaphore_mem>>
        %dma_start3A_99 = tpu.memref_squeeze %dma_start3A_98 : memref<1x!tpu.dma_semaphore, #tpu.memory_space<semaphore_mem>> -> memref<!tpu.dma_semaphore, #tpu.memory_space<semaphore_mem>>
        %dma_start3A_100 = arith.constant 0 : i32
        %dma_start3A_101 = tpu.memref_slice %arg4[%mul3A_92, %dma_start3A_100] : memref<100000x128xf32, #tpu.memory_space<hbm>> -> memref<128x128xf32, #tpu.memory_space<hbm>>
        %dma_start3A_102 = arith.constant 0 : i32
        %dma_start3A_103 = arith.constant 0 : i32
        %dma_start3A_104 = tpu.memref_slice %arg6[%rem3A_69, %dma_start3A_102, %dma_start3A_103] : memref<6x128x128xf32, #tpu.memory_space<vmem>> -> memref<1x128x128xf32, #tpu.memory_space<vmem>>
        %dma_start3A_105 = tpu.memref_squeeze %dma_start3A_104 : memref<1x128x128xf32, #tpu.memory_space<vmem>> -> memref<128x128xf32, #tpu.memory_space<vmem>>
        tpu.enqueue_dma source(%dma_start3A_105 : memref<128x128xf32, #tpu.memory_space<vmem>>) target(%dma_start3A_101 : memref<128x128xf32, #tpu.memory_space<hbm>>) target_semaphore(%dma_start3A_99 : memref<!tpu.dma_semaphore, #tpu.memory_space<semaphore_mem>>)
      } else {
      }
      %eq3A_86 = arith.constant 781 : i32
      %eq3A_87 = arith.cmpi eq, %add3A_70, %eq3A_86 : i32
      %convert_element_type3A_88 = arith.extui %eq3A_87 : i1 to i32
      %cond3A_89 = arith.constant 0 : i32
      %cond3A_90 = arith.cmpi ne, %convert_element_type3A_88, %cond3A_89 : i32
      scf.if %cond3A_90 {
        "tpu.region"() ({
          %run_scoped3A = tpu.sem_alloc : memref<!tpu.dma_semaphore, #tpu.memory_space<semaphore_mem>>
          %dma_start3A = arith.constant 0 : i32
          %dma_start3A_91 = arith.constant 0 : i32
          %dma_start3A_92 = tpu.memref_slice %arg6[%rem3A_69, %dma_start3A, %dma_start3A_91] : memref<6x128x128xf32, #tpu.memory_space<vmem>> -> memref<1x128x128xf32, #tpu.memory_space<vmem>>
          %dma_start3A_93 = tpu.memref_squeeze %dma_start3A_92 : memref<1x128x128xf32, #tpu.memory_space<vmem>> -> memref<128x128xf32, #tpu.memory_space<vmem>>
          %dma_start3A_94 = arith.constant 0 : i32
          %dma_start3A_95 = arith.constant 0 : i32
          %dma_start3A_96 = tpu.memref_slice %dma_start3A_93[%dma_start3A_94, %dma_start3A_95] : memref<128x128xf32, #tpu.memory_space<vmem>> -> memref<32x128xf32, #tpu.memory_space<vmem>>
          %dma_start3A_97 = arith.constant 99968 : i32
          %dma_start3A_98 = arith.constant 0 : i32
          %dma_start3A_99 = tpu.memref_slice %arg4[%dma_start3A_97, %dma_start3A_98] : memref<100000x128xf32, #tpu.memory_space<hbm>> -> memref<32x128xf32, #tpu.memory_space<hbm>>
          %dma_start3A_100 = arith.constant 99968 : i32
          %dma_start3A_101 = arith.constant 0 : i32
          %dma_start3A_102 = tpu.memref_slice %arg4[%dma_start3A_100, %dma_start3A_101] : memref<100000x128xf32, #tpu.memory_space<hbm>> -> memref<32x128xf32, #tpu.memory_space<hbm>>
          %dma_start3A_103 = arith.constant 0 : i32
          %dma_start3A_104 = arith.constant 0 : i32
          %dma_start3A_105 = tpu.memref_slice %arg6[%rem3A_69, %dma_start3A_103, %dma_start3A_104] : memref<6x128x128xf32, #tpu.memory_space<vmem>> -> memref<1x128x128xf32, #tpu.memory_space<vmem>>
          %dma_start3A_106 = tpu.memref_squeeze %dma_start3A_105 : memref<1x128x128xf32, #tpu.memory_space<vmem>> -> memref<128x128xf32, #tpu.memory_space<vmem>>
          %dma_start3A_107 = arith.constant 0 : i32
          %dma_start3A_108 = arith.constant 0 : i32
          %dma_start3A_109 = tpu.memref_slice %dma_start3A_106[%dma_start3A_107, %dma_start3A_108] : memref<128x128xf32, #tpu.memory_space<vmem>> -> memref<32x128xf32, #tpu.memory_space<vmem>>
          tpu.enqueue_dma source(%dma_start3A_109 : memref<32x128xf32, #tpu.memory_space<vmem>>) target(%dma_start3A_102 : memref<32x128xf32, #tpu.memory_space<hbm>>) target_semaphore(%run_scoped3A : memref<!tpu.dma_semaphore, #tpu.memory_space<semaphore_mem>>)
          %dma_wait3A = arith.constant 0 : i32
          %dma_wait3A_110 = arith.constant 0 : i32
          %dma_wait3A_111 = tpu.memref_slice %arg6[%rem3A_69, %dma_wait3A, %dma_wait3A_110] : memref<6x128x128xf32, #tpu.memory_space<vmem>> -> memref<1x128x128xf32, #tpu.memory_space<vmem>>
          %dma_wait3A_112 = tpu.memref_squeeze %dma_wait3A_111 : memref<1x128x128xf32, #tpu.memory_space<vmem>> -> memref<128x128xf32, #tpu.memory_space<vmem>>
          %dma_wait3A_113 = arith.constant 0 : i32
          %dma_wait3A_114 = arith.constant 0 : i32
          %dma_wait3A_115 = tpu.memref_slice %dma_wait3A_112[%dma_wait3A_113, %dma_wait3A_114] : memref<128x128xf32, #tpu.memory_space<vmem>> -> memref<32x128xf32, #tpu.memory_space<vmem>>
          %dma_wait3A_116 = arith.constant 99968 : i32
          %dma_wait3A_117 = arith.constant 0 : i32
          %dma_wait3A_118 = tpu.memref_slice %arg4[%dma_wait3A_116, %dma_wait3A_117] : memref<100000x128xf32, #tpu.memory_space<hbm>> -> memref<32x128xf32, #tpu.memory_space<hbm>>
          %dma_wait3A_119 = arith.constant 99968 : i32
          %dma_wait3A_120 = arith.constant 0 : i32
          %dma_wait3A_121 = tpu.memref_slice %arg4[%dma_wait3A_119, %dma_wait3A_120] : memref<100000x128xf32, #tpu.memory_space<hbm>> -> memref<32x128xf32, #tpu.memory_space<hbm>>
          %dma_wait3A_122 = arith.constant 0 : i32
          %dma_wait3A_123 = arith.constant 0 : i32
          %dma_wait3A_124 = tpu.memref_slice %arg6[%rem3A_69, %dma_wait3A_122, %dma_wait3A_123] : memref<6x128x128xf32, #tpu.memory_space<vmem>> -> memref<1x128x128xf32, #tpu.memory_space<vmem>>
          %dma_wait3A_125 = tpu.memref_squeeze %dma_wait3A_124 : memref<1x128x128xf32, #tpu.memory_space<vmem>> -> memref<128x128xf32, #tpu.memory_space<vmem>>
          %dma_wait3A_126 = arith.constant 0 : i32
          %dma_wait3A_127 = arith.constant 0 : i32
          %dma_wait3A_128 = tpu.memref_slice %dma_wait3A_125[%dma_wait3A_126, %dma_wait3A_127] : memref<128x128xf32, #tpu.memory_space<vmem>> -> memref<32x128xf32, #tpu.memory_space<vmem>>
          tpu.wait_dma2 semaphore(%run_scoped3A : memref<!tpu.dma_semaphore, #tpu.memory_space<semaphore_mem>>) src(%dma_wait3A_128 : memref<32x128xf32, #tpu.memory_space<vmem>>) dst(%dma_wait3A_121 : memref<32x128xf32, #tpu.memory_space<hbm>>)
          tpu.yield
        }) : () -> ()
      } else {
      }
    }
    %while3A_57 = arith.constant 1 : i32
    scf.for %while3A_66 = %while3A_55 to %while3A_51 step %while3A_57  : i32 {
      %mul3A_67 = arith.muli %while3A_66, %while3A : i32
      %add3A_68 = arith.addi %while3A_48, %mul3A_67 : i32
      %rem3A = arith.constant 6 : i32
      %rem3A_69 = arith.remsi %add3A_68, %rem3A : i32
      %add3A_70 = arith.addi %select_n3A_6, %add3A_68 : i32
      %add3A_71 = arith.constant 3 : i32
      %add3A_72 = arith.addi %add3A_68, %add3A_71 : i32
      %lt3A = arith.cmpi slt, %add3A_72, %select_n3A : i32
      %convert_element_type3A_73 = arith.extui %lt3A : i1 to i32
      %cond3A_74 = arith.constant 0 : i32
      %cond3A_75 = arith.cmpi ne, %convert_element_type3A_73, %cond3A_74 : i32
      scf.if %cond3A_75 {
        %sub3A_91 = arith.constant 3 : i32
        %sub3A_92 = arith.subi %add3A_68, %sub3A_91 : i32
        %ge3A = arith.constant 0 : i32
        %ge3A_93 = arith.cmpi sge, %sub3A_92, %ge3A : i32
        %sub3A_94 = arith.constant 3 : i32
        %sub3A_95 = arith.subi %add3A_70, %sub3A_94 : i32
        %lt3A_96 = arith.constant 781 : i32
        %lt3A_97 = arith.cmpi slt, %sub3A_95, %lt3A_96 : i32
        %and3A_98 = arith.andi %ge3A_93, %lt3A_97 : i1
        %convert_element_type3A_99 = arith.extui %and3A_98 : i1 to i32
        %cond3A_100 = arith.constant 0 : i32
        %cond3A_101 = arith.cmpi ne, %convert_element_type3A_99, %cond3A_100 : i32
        scf.if %cond3A_101 {
          %add3A_110 = arith.constant 3 : i32
          %add3A_111 = arith.addi %add3A_68, %add3A_110 : i32
          %rem3A_112 = arith.constant 6 : i32
          %rem3A_113 = arith.remsi %add3A_111, %rem3A_112 : i32
          %sub3A_114 = arith.constant 3 : i32
          %sub3A_115 = arith.subi %add3A_70, %sub3A_114 : i32
          %mul3A_116 = arith.constant 128 : i32
          %mul3A_117 = arith.muli %sub3A_115, %mul3A_116 : i32
          %dma_wait3A = arith.constant 0 : i32
          %dma_wait3A_118 = arith.constant 0 : i32
          %dma_wait3A_119 = tpu.memref_slice %arg6[%rem3A_113, %dma_wait3A, %dma_wait3A_118] : memref<6x128x128xf32, #tpu.memory_space<vmem>> -> memref<1x128x128xf32, #tpu.memory_space<vmem>>
          %dma_wait3A_120 = tpu.memref_squeeze %dma_wait3A_119 : memref<1x128x128xf32, #tpu.memory_space<vmem>> -> memref<128x128xf32, #tpu.memory_space<vmem>>
          %dma_wait3A_121 = arith.constant 0 : i32
          %dma_wait3A_122 = tpu.memref_slice %arg4[%mul3A_117, %dma_wait3A_121] : memref<100000x128xf32, #tpu.memory_space<hbm>> -> memref<128x128xf32, #tpu.memory_space<hbm>>
          %dma_wait3A_123 = tpu.memref_slice %arg8[%rem3A_113] : memref<6x!tpu.dma_semaphore, #tpu.memory_space<semaphore_mem>> -> memref<1x!tpu.dma_semaphore, #tpu.memory_space<semaphore_mem>>
          %dma_wait3A_124 = tpu.memref_squeeze %dma_wait3A_123 : memref<1x!tpu.dma_semaphore, #tpu.memory_space<semaphore_mem>> -> memref<!tpu.dma_semaphore, #tpu.memory_space<semaphore_mem>>
          %dma_wait3A_125 = arith.constant 0 : i32
          %dma_wait3A_126 = tpu.memref_slice %arg4[%mul3A_117, %dma_wait3A_125] : memref<100000x128xf32, #tpu.memory_space<hbm>> -> memref<128x128xf32, #tpu.memory_space<hbm>>
          %dma_wait3A_127 = arith.constant 0 : i32
          %dma_wait3A_128 = arith.constant 0 : i32
          %dma_wait3A_129 = tpu.memref_slice %arg6[%rem3A_113, %dma_wait3A_127, %dma_wait3A_128] : memref<6x128x128xf32, #tpu.memory_space<vmem>> -> memref<1x128x128xf32, #tpu.memory_space<vmem>>
          %dma_wait3A_130 = tpu.memref_squeeze %dma_wait3A_129 : memref<1x128x128xf32, #tpu.memory_space<vmem>> -> memref<128x128xf32, #tpu.memory_space<vmem>>
          tpu.wait_dma2 semaphore(%dma_wait3A_124 : memref<!tpu.dma_semaphore, #tpu.memory_space<semaphore_mem>>) src(%dma_wait3A_130 : memref<128x128xf32, #tpu.memory_space<vmem>>) dst(%dma_wait3A_126 : memref<128x128xf32, #tpu.memory_space<hbm>>)
        } else {
        }
        %add3A_102 = arith.constant 3 : i32
        %add3A_103 = arith.addi %add3A_68, %add3A_102 : i32
        %add3A_104 = arith.addi %select_n3A_6, %add3A_103 : i32
        %le3A_105 = arith.constant 781 : i32
        %le3A_106 = arith.cmpi sle, %add3A_104, %le3A_105 : i32
        %convert_element_type3A_107 = arith.extui %le3A_106 : i1 to i32
        %cond3A_108 = arith.constant 0 : i32
        %cond3A_109 = arith.cmpi ne, %convert_element_type3A_107, %cond3A_108 : i32
        scf.if %cond3A_109 {
          %rem3A_110 = arith.constant 6 : i32
          %rem3A_111 = arith.remsi %add3A_103, %rem3A_110 : i32
          %mul3A_112 = arith.constant 128 : i32
          %mul3A_113 = arith.muli %add3A_103, %mul3A_112 : i32
          %dma_start3A = arith.constant 0 : i32
          %dma_start3A_114 = arith.constant 0 : i32
          %dma_start3A_115 = tpu.memref_slice %arg6[%rem3A_111, %dma_start3A, %dma_start3A_114] : memref<6x128x128xf32, #tpu.memory_space<vmem>> -> memref<1x128x128xf32, #tpu.memory_space<vmem>>
          %dma_start3A_116 = tpu.memref_squeeze %dma_start3A_115 : memref<1x128x128xf32, #tpu.memory_space<vmem>> -> memref<128x128xf32, #tpu.memory_space<vmem>>
          %dma_start3A_117 = tpu.memref_slice %arg5[%mul3A_113] : memref<3712xi32, #tpu.memory_space<vmem>> -> memref<128xi32, #tpu.memory_space<vmem>>
          %dma_start3A_118 = arith.constant 0 : i32
          %dma_start3A_119 = arith.constant 0 : i32
          %dma_start3A_120 = tpu.memref_slice %arg2[%dma_start3A_118, %dma_start3A_119] : memref<100000x128xf32, #tpu.memory_space<hbm>> -> memref<100000x128xf32, #tpu.memory_space<hbm>>
          %dma_start3A_121 = tpu.memref_slice %arg7[%rem3A_111] : memref<6x!tpu.dma_semaphore, #tpu.memory_space<semaphore_mem>> -> memref<1x!tpu.dma_semaphore, #tpu.memory_space<semaphore_mem>>
          %dma_start3A_122 = tpu.memref_squeeze %dma_start3A_121 : memref<1x!tpu.dma_semaphore, #tpu.memory_space<semaphore_mem>> -> memref<!tpu.dma_semaphore, #tpu.memory_space<semaphore_mem>>
          tpu.enqueue_indirect_dma source(%dma_start3A_120 : memref<100000x128xf32, #tpu.memory_space<hbm>>) target(%dma_start3A_116 : memref<128x128xf32, #tpu.memory_space<vmem>>) offsets(%dma_start3A_117 : memref<128xi32, #tpu.memory_space<vmem>>) semaphore(%dma_start3A_122 : memref<!tpu.dma_semaphore, #tpu.memory_space<semaphore_mem>>)
        } else {
        }
      } else {
      }
      %le3A_76 = arith.constant 781 : i32
      %le3A_77 = arith.cmpi sle, %add3A_70, %le3A_76 : i32
      %convert_element_type3A_78 = arith.extui %le3A_77 : i1 to i32
      %cond3A_79 = arith.constant 0 : i32
      %cond3A_80 = arith.cmpi ne, %convert_element_type3A_78, %cond3A_79 : i32
      scf.if %cond3A_80 {
        %mul3A_91 = arith.constant 128 : i32
        %mul3A_92 = arith.muli %add3A_68, %mul3A_91 : i32
        %dma_wait3A = arith.constant 0 : i32
        %dma_wait3A_93 = arith.constant 0 : i32
        %dma_wait3A_94 = tpu.memref_slice %arg6[%rem3A_69, %dma_wait3A, %dma_wait3A_93] : memref<6x128x128xf32, #tpu.memory_space<vmem>> -> memref<1x128x128xf32, #tpu.memory_space<vmem>>
        %dma_wait3A_95 = tpu.memref_squeeze %dma_wait3A_94 : memref<1x128x128xf32, #tpu.memory_space<vmem>> -> memref<128x128xf32, #tpu.memory_space<vmem>>
        %dma_wait3A_96 = tpu.memref_slice %arg5[%mul3A_92] : memref<3712xi32, #tpu.memory_space<vmem>> -> memref<128xi32, #tpu.memory_space<vmem>>
        %dma_wait3A_97 = arith.constant 0 : i32
        %dma_wait3A_98 = arith.constant 0 : i32
        %dma_wait3A_99 = tpu.memref_slice %arg2[%dma_wait3A_97, %dma_wait3A_98] : memref<100000x128xf32, #tpu.memory_space<hbm>> -> memref<100000x128xf32, #tpu.memory_space<hbm>>
        %dma_wait3A_100 = tpu.memref_slice %arg7[%rem3A_69] : memref<6x!tpu.dma_semaphore, #tpu.memory_space<semaphore_mem>> -> memref<1x!tpu.dma_semaphore, #tpu.memory_space<semaphore_mem>>
        %dma_wait3A_101 = tpu.memref_squeeze %dma_wait3A_100 : memref<1x!tpu.dma_semaphore, #tpu.memory_space<semaphore_mem>> -> memref<!tpu.dma_semaphore, #tpu.memory_space<semaphore_mem>>
        tpu.wait_indirect_dma semaphore(%dma_wait3A_101 : memref<!tpu.dma_semaphore, #tpu.memory_space<semaphore_mem>>) src(%dma_wait3A_99 : memref<100000x128xf32, #tpu.memory_space<hbm>>) dst(%dma_wait3A_95 : memref<128x128xf32, #tpu.memory_space<vmem>>)
      } else {
      }
      %lt3A_81 = arith.constant 781 : i32
      %lt3A_82 = arith.cmpi slt, %add3A_70, %lt3A_81 : i32
      %convert_element_type3A_83 = arith.extui %lt3A_82 : i1 to i32
      %cond3A_84 = arith.constant 0 : i32
      %cond3A_85 = arith.cmpi ne, %convert_element_type3A_83, %cond3A_84 : i32
      scf.if %cond3A_85 {
        %mul3A_91 = arith.constant 128 : i32
        %mul3A_92 = arith.muli %add3A_70, %mul3A_91 : i32
        %dma_start3A = arith.constant 0 : i32
        %dma_start3A_93 = arith.constant 0 : i32
        %dma_start3A_94 = tpu.memref_slice %arg6[%rem3A_69, %dma_start3A, %dma_start3A_93] : memref<6x128x128xf32, #tpu.memory_space<vmem>> -> memref<1x128x128xf32, #tpu.memory_space<vmem>>
        %dma_start3A_95 = tpu.memref_squeeze %dma_start3A_94 : memref<1x128x128xf32, #tpu.memory_space<vmem>> -> memref<128x128xf32, #tpu.memory_space<vmem>>
        %dma_start3A_96 = arith.constant 0 : i32
        %dma_start3A_97 = tpu.memref_slice %arg4[%mul3A_92, %dma_start3A_96] : memref<100000x128xf32, #tpu.memory_space<hbm>> -> memref<128x128xf32, #tpu.memory_space<hbm>>
        %dma_start3A_98 = tpu.memref_slice %arg8[%rem3A_69] : memref<6x!tpu.dma_semaphore, #tpu.memory_space<semaphore_mem>> -> memref<1x!tpu.dma_semaphore, #tpu.memory_space<semaphore_mem>>
        %dma_start3A_99 = tpu.memref_squeeze %dma_start3A_98 : memref<1x!tpu.dma_semaphore, #tpu.memory_space<semaphore_mem>> -> memref<!tpu.dma_semaphore, #tpu.memory_space<semaphore_mem>>
        %dma_start3A_100 = arith.constant 0 : i32
        %dma_start3A_101 = tpu.memref_slice %arg4[%mul3A_92, %dma_start3A_100] : memref<100000x128xf32, #tpu.memory_space<hbm>> -> memref<128x128xf32, #tpu.memory_space<hbm>>
        %dma_start3A_102 = arith.constant 0 : i32
        %dma_start3A_103 = arith.constant 0 : i32
        %dma_start3A_104 = tpu.memref_slice %arg6[%rem3A_69, %dma_start3A_102, %dma_start3A_103] : memref<6x128x128xf32, #tpu.memory_space<vmem>> -> memref<1x128x128xf32, #tpu.memory_space<vmem>>
        %dma_start3A_105 = tpu.memref_squeeze %dma_start3A_104 : memref<1x128x128xf32, #tpu.memory_space<vmem>> -> memref<128x128xf32, #tpu.memory_space<vmem>>
        tpu.enqueue_dma source(%dma_start3A_105 : memref<128x128xf32, #tpu.memory_space<vmem>>) target(%dma_start3A_101 : memref<128x128xf32, #tpu.memory_space<hbm>>) target_semaphore(%dma_start3A_99 : memref<!tpu.dma_semaphore, #tpu.memory_space<semaphore_mem>>)
      } else {
      }
      %eq3A_86 = arith.constant 781 : i32
      %eq3A_87 = arith.cmpi eq, %add3A_70, %eq3A_86 : i32
      %convert_element_type3A_88 = arith.extui %eq3A_87 : i1 to i32
      %cond3A_89 = arith.constant 0 : i32
      %cond3A_90 = arith.cmpi ne, %convert_element_type3A_88, %cond3A_89 : i32
      scf.if %cond3A_90 {
        "tpu.region"() ({
          %run_scoped3A = tpu.sem_alloc : memref<!tpu.dma_semaphore, #tpu.memory_space<semaphore_mem>>
          %dma_start3A = arith.constant 0 : i32
          %dma_start3A_91 = arith.constant 0 : i32
          %dma_start3A_92 = tpu.memref_slice %arg6[%rem3A_69, %dma_start3A, %dma_start3A_91] : memref<6x128x128xf32, #tpu.memory_space<vmem>> -> memref<1x128x128xf32, #tpu.memory_space<vmem>>
          %dma_start3A_93 = tpu.memref_squeeze %dma_start3A_92 : memref<1x128x128xf32, #tpu.memory_space<vmem>> -> memref<128x128xf32, #tpu.memory_space<vmem>>
          %dma_start3A_94 = arith.constant 0 : i32
          %dma_start3A_95 = arith.constant 0 : i32
          %dma_start3A_96 = tpu.memref_slice %dma_start3A_93[%dma_start3A_94, %dma_start3A_95] : memref<128x128xf32, #tpu.memory_space<vmem>> -> memref<32x128xf32, #tpu.memory_space<vmem>>
          %dma_start3A_97 = arith.constant 99968 : i32
          %dma_start3A_98 = arith.constant 0 : i32
          %dma_start3A_99 = tpu.memref_slice %arg4[%dma_start3A_97, %dma_start3A_98] : memref<100000x128xf32, #tpu.memory_space<hbm>> -> memref<32x128xf32, #tpu.memory_space<hbm>>
          %dma_start3A_100 = arith.constant 99968 : i32
          %dma_start3A_101 = arith.constant 0 : i32
          %dma_start3A_102 = tpu.memref_slice %arg4[%dma_start3A_100, %dma_start3A_101] : memref<100000x128xf32, #tpu.memory_space<hbm>> -> memref<32x128xf32, #tpu.memory_space<hbm>>
          %dma_start3A_103 = arith.constant 0 : i32
          %dma_start3A_104 = arith.constant 0 : i32
          %dma_start3A_105 = tpu.memref_slice %arg6[%rem3A_69, %dma_start3A_103, %dma_start3A_104] : memref<6x128x128xf32, #tpu.memory_space<vmem>> -> memref<1x128x128xf32, #tpu.memory_space<vmem>>
          %dma_start3A_106 = tpu.memref_squeeze %dma_start3A_105 : memref<1x128x128xf32, #tpu.memory_space<vmem>> -> memref<128x128xf32, #tpu.memory_space<vmem>>
          %dma_start3A_107 = arith.constant 0 : i32
          %dma_start3A_108 = arith.constant 0 : i32
          %dma_start3A_109 = tpu.memref_slice %dma_start3A_106[%dma_start3A_107, %dma_start3A_108] : memref<128x128xf32, #tpu.memory_space<vmem>> -> memref<32x128xf32, #tpu.memory_space<vmem>>
          tpu.enqueue_dma source(%dma_start3A_109 : memref<32x128xf32, #tpu.memory_space<vmem>>) target(%dma_start3A_102 : memref<32x128xf32, #tpu.memory_space<hbm>>) target_semaphore(%run_scoped3A : memref<!tpu.dma_semaphore, #tpu.memory_space<semaphore_mem>>)
          %dma_wait3A = arith.constant 0 : i32
          %dma_wait3A_110 = arith.constant 0 : i32
          %dma_wait3A_111 = tpu.memref_slice %arg6[%rem3A_69, %dma_wait3A, %dma_wait3A_110] : memref<6x128x128xf32, #tpu.memory_space<vmem>> -> memref<1x128x128xf32, #tpu.memory_space<vmem>>
          %dma_wait3A_112 = tpu.memref_squeeze %dma_wait3A_111 : memref<1x128x128xf32, #tpu.memory_space<vmem>> -> memref<128x128xf32, #tpu.memory_space<vmem>>
          %dma_wait3A_113 = arith.constant 0 : i32
          %dma_wait3A_114 = arith.constant 0 : i32
          %dma_wait3A_115 = tpu.memref_slice %dma_wait3A_112[%dma_wait3A_113, %dma_wait3A_114] : memref<128x128xf32, #tpu.memory_space<vmem>> -> memref<32x128xf32, #tpu.memory_space<vmem>>
          %dma_wait3A_116 = arith.constant 99968 : i32
          %dma_wait3A_117 = arith.constant 0 : i32
          %dma_wait3A_118 = tpu.memref_slice %arg4[%dma_wait3A_116, %dma_wait3A_117] : memref<100000x128xf32, #tpu.memory_space<hbm>> -> memref<32x128xf32, #tpu.memory_space<hbm>>
          %dma_wait3A_119 = arith.constant 99968 : i32
          %dma_wait3A_120 = arith.constant 0 : i32
          %dma_wait3A_121 = tpu.memref_slice %arg4[%dma_wait3A_119, %dma_wait3A_120] : memref<100000x128xf32, #tpu.memory_space<hbm>> -> memref<32x128xf32, #tpu.memory_space<hbm>>
          %dma_wait3A_122 = arith.constant 0 : i32
          %dma_wait3A_123 = arith.constant 0 : i32
          %dma_wait3A_124 = tpu.memref_slice %arg6[%rem3A_69, %dma_wait3A_122, %dma_wait3A_123] : memref<6x128x128xf32, #tpu.memory_space<vmem>> -> memref<1x128x128xf32, #tpu.memory_space<vmem>>
          %dma_wait3A_125 = tpu.memref_squeeze %dma_wait3A_124 : memref<1x128x128xf32, #tpu.memory_space<vmem>> -> memref<128x128xf32, #tpu.memory_space<vmem>>
          %dma_wait3A_126 = arith.constant 0 : i32
          %dma_wait3A_127 = arith.constant 0 : i32
          %dma_wait3A_128 = tpu.memref_slice %dma_wait3A_125[%dma_wait3A_126, %dma_wait3A_127] : memref<128x128xf32, #tpu.memory_space<vmem>> -> memref<32x128xf32, #tpu.memory_space<vmem>>
          tpu.wait_dma2 semaphore(%run_scoped3A : memref<!tpu.dma_semaphore, #tpu.memory_space<semaphore_mem>>) src(%dma_wait3A_128 : memref<32x128xf32, #tpu.memory_space<vmem>>) dst(%dma_wait3A_121 : memref<32x128xf32, #tpu.memory_space<hbm>>)
          tpu.yield
        }) : () -> ()
      } else {
      }
    }
    %convert_element_type3A_58 = arith.extui %eq3A_0 : i1 to i32
    %cond3A_59 = arith.constant 0 : i32
    %cond3A_60 = arith.cmpi ne, %convert_element_type3A_58, %cond3A_59 : i32
    scf.if %cond3A_60 {
      %add3A_66 = arith.constant 23 : i32
      %add3A_67 = arith.addi %select_n3A_6, %add3A_66 : i32
      %lt3A = arith.constant 781 : i32
      %lt3A_68 = arith.cmpi slt, %add3A_67, %lt3A : i32
      %convert_element_type3A_69 = arith.extui %lt3A_68 : i1 to i32
      %cond3A_70 = arith.constant 0 : i32
      %cond3A_71 = arith.cmpi ne, %convert_element_type3A_69, %cond3A_70 : i32
      scf.if %cond3A_71 {
        %add3A_107 = arith.constant 23 : i32
        %add3A_108 = arith.addi %select_n3A_6, %add3A_107 : i32
        %mul3A_109 = arith.constant 128 : i32
        %mul3A_110 = arith.muli %add3A_108, %mul3A_109 : i32
        %dma_wait3A = arith.constant 5 : i32
        %dma_wait3A_111 = arith.constant 5 : i32
        %dma_wait3A_112 = arith.constant 0 : i32
        %dma_wait3A_113 = arith.constant 0 : i32
        %dma_wait3A_114 = tpu.memref_slice %arg6[%dma_wait3A, %dma_wait3A_112, %dma_wait3A_113] : memref<6x128x128xf32, #tpu.memory_space<vmem>> -> memref<1x128x128xf32, #tpu.memory_space<vmem>>
        %dma_wait3A_115 = tpu.memref_squeeze %dma_wait3A_114 : memref<1x128x128xf32, #tpu.memory_space<vmem>> -> memref<128x128xf32, #tpu.memory_space<vmem>>
        %dma_wait3A_116 = arith.constant 0 : i32
        %dma_wait3A_117 = tpu.memref_slice %arg4[%mul3A_110, %dma_wait3A_116] : memref<100000x128xf32, #tpu.memory_space<hbm>> -> memref<128x128xf32, #tpu.memory_space<hbm>>
        %dma_wait3A_118 = tpu.memref_slice %arg8[%dma_wait3A_111] : memref<6x!tpu.dma_semaphore, #tpu.memory_space<semaphore_mem>> -> memref<1x!tpu.dma_semaphore, #tpu.memory_space<semaphore_mem>>
        %dma_wait3A_119 = tpu.memref_squeeze %dma_wait3A_118 : memref<1x!tpu.dma_semaphore, #tpu.memory_space<semaphore_mem>> -> memref<!tpu.dma_semaphore, #tpu.memory_space<semaphore_mem>>
        %dma_wait3A_120 = arith.constant 0 : i32
        %dma_wait3A_121 = tpu.memref_slice %arg4[%mul3A_110, %dma_wait3A_120] : memref<100000x128xf32, #tpu.memory_space<hbm>> -> memref<128x128xf32, #tpu.memory_space<hbm>>
        %dma_wait3A_122 = arith.constant 0 : i32
        %dma_wait3A_123 = arith.constant 0 : i32
        %dma_wait3A_124 = tpu.memref_slice %arg6[%dma_wait3A, %dma_wait3A_122, %dma_wait3A_123] : memref<6x128x128xf32, #tpu.memory_space<vmem>> -> memref<1x128x128xf32, #tpu.memory_space<vmem>>
        %dma_wait3A_125 = tpu.memref_squeeze %dma_wait3A_124 : memref<1x128x128xf32, #tpu.memory_space<vmem>> -> memref<128x128xf32, #tpu.memory_space<vmem>>
        tpu.wait_dma2 semaphore(%dma_wait3A_119 : memref<!tpu.dma_semaphore, #tpu.memory_space<semaphore_mem>>) src(%dma_wait3A_125 : memref<128x128xf32, #tpu.memory_space<vmem>>) dst(%dma_wait3A_121 : memref<128x128xf32, #tpu.memory_space<hbm>>)
      } else {
      }
      %add3A_72 = arith.constant 24 : i32
      %add3A_73 = arith.addi %select_n3A_6, %add3A_72 : i32
      %lt3A_74 = arith.constant 781 : i32
      %lt3A_75 = arith.cmpi slt, %add3A_73, %lt3A_74 : i32
      %convert_element_type3A_76 = arith.extui %lt3A_75 : i1 to i32
      %cond3A_77 = arith.constant 0 : i32
      %cond3A_78 = arith.cmpi ne, %convert_element_type3A_76, %cond3A_77 : i32
      scf.if %cond3A_78 {
        %add3A_107 = arith.constant 24 : i32
        %add3A_108 = arith.addi %select_n3A_6, %add3A_107 : i32
        %mul3A_109 = arith.constant 128 : i32
        %mul3A_110 = arith.muli %add3A_108, %mul3A_109 : i32
        %dma_wait3A = arith.constant 0 : i32
        %dma_wait3A_111 = arith.constant 0 : i32
        %dma_wait3A_112 = arith.constant 0 : i32
        %dma_wait3A_113 = arith.constant 0 : i32
        %dma_wait3A_114 = tpu.memref_slice %arg6[%dma_wait3A, %dma_wait3A_112, %dma_wait3A_113] : memref<6x128x128xf32, #tpu.memory_space<vmem>> -> memref<1x128x128xf32, #tpu.memory_space<vmem>>
        %dma_wait3A_115 = tpu.memref_squeeze %dma_wait3A_114 : memref<1x128x128xf32, #tpu.memory_space<vmem>> -> memref<128x128xf32, #tpu.memory_space<vmem>>
        %dma_wait3A_116 = arith.constant 0 : i32
        %dma_wait3A_117 = tpu.memref_slice %arg4[%mul3A_110, %dma_wait3A_116] : memref<100000x128xf32, #tpu.memory_space<hbm>> -> memref<128x128xf32, #tpu.memory_space<hbm>>
        %dma_wait3A_118 = tpu.memref_slice %arg8[%dma_wait3A_111] : memref<6x!tpu.dma_semaphore, #tpu.memory_space<semaphore_mem>> -> memref<1x!tpu.dma_semaphore, #tpu.memory_space<semaphore_mem>>
        %dma_wait3A_119 = tpu.memref_squeeze %dma_wait3A_118 : memref<1x!tpu.dma_semaphore, #tpu.memory_space<semaphore_mem>> -> memref<!tpu.dma_semaphore, #tpu.memory_space<semaphore_mem>>
        %dma_wait3A_120 = arith.constant 0 : i32
        %dma_wait3A_121 = tpu.memref_slice %arg4[%mul3A_110, %dma_wait3A_120] : memref<100000x128xf32, #tpu.memory_space<hbm>> -> memref<128x128xf32, #tpu.memory_space<hbm>>
        %dma_wait3A_122 = arith.constant 0 : i32
        %dma_wait3A_123 = arith.constant 0 : i32
        %dma_wait3A_124 = tpu.memref_slice %arg6[%dma_wait3A, %dma_wait3A_122, %dma_wait3A_123] : memref<6x128x128xf32, #tpu.memory_space<vmem>> -> memref<1x128x128xf32, #tpu.memory_space<vmem>>
        %dma_wait3A_125 = tpu.memref_squeeze %dma_wait3A_124 : memref<1x128x128xf32, #tpu.memory_space<vmem>> -> memref<128x128xf32, #tpu.memory_space<vmem>>
        tpu.wait_dma2 semaphore(%dma_wait3A_119 : memref<!tpu.dma_semaphore, #tpu.memory_space<semaphore_mem>>) src(%dma_wait3A_125 : memref<128x128xf32, #tpu.memory_space<vmem>>) dst(%dma_wait3A_121 : memref<128x128xf32, #tpu.memory_space<hbm>>)
      } else {
      }
      %add3A_79 = arith.constant 25 : i32
      %add3A_80 = arith.addi %select_n3A_6, %add3A_79 : i32
      %lt3A_81 = arith.constant 781 : i32
      %lt3A_82 = arith.cmpi slt, %add3A_80, %lt3A_81 : i32
      %convert_element_type3A_83 = arith.extui %lt3A_82 : i1 to i32
      %cond3A_84 = arith.constant 0 : i32
      %cond3A_85 = arith.cmpi ne, %convert_element_type3A_83, %cond3A_84 : i32
      scf.if %cond3A_85 {
        %add3A_107 = arith.constant 25 : i32
        %add3A_108 = arith.addi %select_n3A_6, %add3A_107 : i32
        %mul3A_109 = arith.constant 128 : i32
        %mul3A_110 = arith.muli %add3A_108, %mul3A_109 : i32
        %dma_wait3A = arith.constant 1 : i32
        %dma_wait3A_111 = arith.constant 1 : i32
        %dma_wait3A_112 = arith.constant 0 : i32
        %dma_wait3A_113 = arith.constant 0 : i32
        %dma_wait3A_114 = tpu.memref_slice %arg6[%dma_wait3A, %dma_wait3A_112, %dma_wait3A_113] : memref<6x128x128xf32, #tpu.memory_space<vmem>> -> memref<1x128x128xf32, #tpu.memory_space<vmem>>
        %dma_wait3A_115 = tpu.memref_squeeze %dma_wait3A_114 : memref<1x128x128xf32, #tpu.memory_space<vmem>> -> memref<128x128xf32, #tpu.memory_space<vmem>>
        %dma_wait3A_116 = arith.constant 0 : i32
        %dma_wait3A_117 = tpu.memref_slice %arg4[%mul3A_110, %dma_wait3A_116] : memref<100000x128xf32, #tpu.memory_space<hbm>> -> memref<128x128xf32, #tpu.memory_space<hbm>>
        %dma_wait3A_118 = tpu.memref_slice %arg8[%dma_wait3A_111] : memref<6x!tpu.dma_semaphore, #tpu.memory_space<semaphore_mem>> -> memref<1x!tpu.dma_semaphore, #tpu.memory_space<semaphore_mem>>
        %dma_wait3A_119 = tpu.memref_squeeze %dma_wait3A_118 : memref<1x!tpu.dma_semaphore, #tpu.memory_space<semaphore_mem>> -> memref<!tpu.dma_semaphore, #tpu.memory_space<semaphore_mem>>
        %dma_wait3A_120 = arith.constant 0 : i32
        %dma_wait3A_121 = tpu.memref_slice %arg4[%mul3A_110, %dma_wait3A_120] : memref<100000x128xf32, #tpu.memory_space<hbm>> -> memref<128x128xf32, #tpu.memory_space<hbm>>
        %dma_wait3A_122 = arith.constant 0 : i32
        %dma_wait3A_123 = arith.constant 0 : i32
        %dma_wait3A_124 = tpu.memref_slice %arg6[%dma_wait3A, %dma_wait3A_122, %dma_wait3A_123] : memref<6x128x128xf32, #tpu.memory_space<vmem>> -> memref<1x128x128xf32, #tpu.memory_space<vmem>>
        %dma_wait3A_125 = tpu.memref_squeeze %dma_wait3A_124 : memref<1x128x128xf32, #tpu.memory_space<vmem>> -> memref<128x128xf32, #tpu.memory_space<vmem>>
        tpu.wait_dma2 semaphore(%dma_wait3A_119 : memref<!tpu.dma_semaphore, #tpu.memory_space<semaphore_mem>>) src(%dma_wait3A_125 : memref<128x128xf32, #tpu.memory_space<vmem>>) dst(%dma_wait3A_121 : memref<128x128xf32, #tpu.memory_space<hbm>>)
      } else {
      }
      %add3A_86 = arith.constant 26 : i32
      %add3A_87 = arith.addi %select_n3A_6, %add3A_86 : i32
      %lt3A_88 = arith.constant 781 : i32
      %lt3A_89 = arith.cmpi slt, %add3A_87, %lt3A_88 : i32
      %convert_element_type3A_90 = arith.extui %lt3A_89 : i1 to i32
      %cond3A_91 = arith.constant 0 : i32
      %cond3A_92 = arith.cmpi ne, %convert_element_type3A_90, %cond3A_91 : i32
      scf.if %cond3A_92 {
        %add3A_107 = arith.constant 26 : i32
        %add3A_108 = arith.addi %select_n3A_6, %add3A_107 : i32
        %mul3A_109 = arith.constant 128 : i32
        %mul3A_110 = arith.muli %add3A_108, %mul3A_109 : i32
        %dma_wait3A = arith.constant 2 : i32
        %dma_wait3A_111 = arith.constant 2 : i32
        %dma_wait3A_112 = arith.constant 0 : i32
        %dma_wait3A_113 = arith.constant 0 : i32
        %dma_wait3A_114 = tpu.memref_slice %arg6[%dma_wait3A, %dma_wait3A_112, %dma_wait3A_113] : memref<6x128x128xf32, #tpu.memory_space<vmem>> -> memref<1x128x128xf32, #tpu.memory_space<vmem>>
        %dma_wait3A_115 = tpu.memref_squeeze %dma_wait3A_114 : memref<1x128x128xf32, #tpu.memory_space<vmem>> -> memref<128x128xf32, #tpu.memory_space<vmem>>
        %dma_wait3A_116 = arith.constant 0 : i32
        %dma_wait3A_117 = tpu.memref_slice %arg4[%mul3A_110, %dma_wait3A_116] : memref<100000x128xf32, #tpu.memory_space<hbm>> -> memref<128x128xf32, #tpu.memory_space<hbm>>
        %dma_wait3A_118 = tpu.memref_slice %arg8[%dma_wait3A_111] : memref<6x!tpu.dma_semaphore, #tpu.memory_space<semaphore_mem>> -> memref<1x!tpu.dma_semaphore, #tpu.memory_space<semaphore_mem>>
        %dma_wait3A_119 = tpu.memref_squeeze %dma_wait3A_118 : memref<1x!tpu.dma_semaphore, #tpu.memory_space<semaphore_mem>> -> memref<!tpu.dma_semaphore, #tpu.memory_space<semaphore_mem>>
        %dma_wait3A_120 = arith.constant 0 : i32
        %dma_wait3A_121 = tpu.memref_slice %arg4[%mul3A_110, %dma_wait3A_120] : memref<100000x128xf32, #tpu.memory_space<hbm>> -> memref<128x128xf32, #tpu.memory_space<hbm>>
        %dma_wait3A_122 = arith.constant 0 : i32
        %dma_wait3A_123 = arith.constant 0 : i32
        %dma_wait3A_124 = tpu.memref_slice %arg6[%dma_wait3A, %dma_wait3A_122, %dma_wait3A_123] : memref<6x128x128xf32, #tpu.memory_space<vmem>> -> memref<1x128x128xf32, #tpu.memory_space<vmem>>
        %dma_wait3A_125 = tpu.memref_squeeze %dma_wait3A_124 : memref<1x128x128xf32, #tpu.memory_space<vmem>> -> memref<128x128xf32, #tpu.memory_space<vmem>>
        tpu.wait_dma2 semaphore(%dma_wait3A_119 : memref<!tpu.dma_semaphore, #tpu.memory_space<semaphore_mem>>) src(%dma_wait3A_125 : memref<128x128xf32, #tpu.memory_space<vmem>>) dst(%dma_wait3A_121 : memref<128x128xf32, #tpu.memory_space<hbm>>)
      } else {
      }
      %add3A_93 = arith.constant 27 : i32
      %add3A_94 = arith.addi %select_n3A_6, %add3A_93 : i32
      %lt3A_95 = arith.constant 781 : i32
      %lt3A_96 = arith.cmpi slt, %add3A_94, %lt3A_95 : i32
      %convert_element_type3A_97 = arith.extui %lt3A_96 : i1 to i32
      %cond3A_98 = arith.constant 0 : i32
      %cond3A_99 = arith.cmpi ne, %convert_element_type3A_97, %cond3A_98 : i32
      scf.if %cond3A_99 {
        %add3A_107 = arith.constant 27 : i32
        %add3A_108 = arith.addi %select_n3A_6, %add3A_107 : i32
        %mul3A_109 = arith.constant 128 : i32
        %mul3A_110 = arith.muli %add3A_108, %mul3A_109 : i32
        %dma_wait3A = arith.constant 3 : i32
        %dma_wait3A_111 = arith.constant 3 : i32
        %dma_wait3A_112 = arith.constant 0 : i32
        %dma_wait3A_113 = arith.constant 0 : i32
        %dma_wait3A_114 = tpu.memref_slice %arg6[%dma_wait3A, %dma_wait3A_112, %dma_wait3A_113] : memref<6x128x128xf32, #tpu.memory_space<vmem>> -> memref<1x128x128xf32, #tpu.memory_space<vmem>>
        %dma_wait3A_115 = tpu.memref_squeeze %dma_wait3A_114 : memref<1x128x128xf32, #tpu.memory_space<vmem>> -> memref<128x128xf32, #tpu.memory_space<vmem>>
        %dma_wait3A_116 = arith.constant 0 : i32
        %dma_wait3A_117 = tpu.memref_slice %arg4[%mul3A_110, %dma_wait3A_116] : memref<100000x128xf32, #tpu.memory_space<hbm>> -> memref<128x128xf32, #tpu.memory_space<hbm>>
        %dma_wait3A_118 = tpu.memref_slice %arg8[%dma_wait3A_111] : memref<6x!tpu.dma_semaphore, #tpu.memory_space<semaphore_mem>> -> memref<1x!tpu.dma_semaphore, #tpu.memory_space<semaphore_mem>>
        %dma_wait3A_119 = tpu.memref_squeeze %dma_wait3A_118 : memref<1x!tpu.dma_semaphore, #tpu.memory_space<semaphore_mem>> -> memref<!tpu.dma_semaphore, #tpu.memory_space<semaphore_mem>>
        %dma_wait3A_120 = arith.constant 0 : i32
        %dma_wait3A_121 = tpu.memref_slice %arg4[%mul3A_110, %dma_wait3A_120] : memref<100000x128xf32, #tpu.memory_space<hbm>> -> memref<128x128xf32, #tpu.memory_space<hbm>>
        %dma_wait3A_122 = arith.constant 0 : i32
        %dma_wait3A_123 = arith.constant 0 : i32
        %dma_wait3A_124 = tpu.memref_slice %arg6[%dma_wait3A, %dma_wait3A_122, %dma_wait3A_123] : memref<6x128x128xf32, #tpu.memory_space<vmem>> -> memref<1x128x128xf32, #tpu.memory_space<vmem>>
        %dma_wait3A_125 = tpu.memref_squeeze %dma_wait3A_124 : memref<1x128x128xf32, #tpu.memory_space<vmem>> -> memref<128x128xf32, #tpu.memory_space<vmem>>
        tpu.wait_dma2 semaphore(%dma_wait3A_119 : memref<!tpu.dma_semaphore, #tpu.memory_space<semaphore_mem>>) src(%dma_wait3A_125 : memref<128x128xf32, #tpu.memory_space<vmem>>) dst(%dma_wait3A_121 : memref<128x128xf32, #tpu.memory_space<hbm>>)
      } else {
      }
      %add3A_100 = arith.constant 28 : i32
      %add3A_101 = arith.addi %select_n3A_6, %add3A_100 : i32
      %lt3A_102 = arith.constant 781 : i32
      %lt3A_103 = arith.cmpi slt, %add3A_101, %lt3A_102 : i32
      %convert_element_type3A_104 = arith.extui %lt3A_103 : i1 to i32
      %cond3A_105 = arith.constant 0 : i32
      %cond3A_106 = arith.cmpi ne, %convert_element_type3A_104, %cond3A_105 : i32
      scf.if %cond3A_106 {
        %add3A_107 = arith.constant 28 : i32
        %add3A_108 = arith.addi %select_n3A_6, %add3A_107 : i32
        %mul3A_109 = arith.constant 128 : i32
        %mul3A_110 = arith.muli %add3A_108, %mul3A_109 : i32
        %dma_wait3A = arith.constant 4 : i32
        %dma_wait3A_111 = arith.constant 4 : i32
        %dma_wait3A_112 = arith.constant 0 : i32
        %dma_wait3A_113 = arith.constant 0 : i32
        %dma_wait3A_114 = tpu.memref_slice %arg6[%dma_wait3A, %dma_wait3A_112, %dma_wait3A_113] : memref<6x128x128xf32, #tpu.memory_space<vmem>> -> memref<1x128x128xf32, #tpu.memory_space<vmem>>
        %dma_wait3A_115 = tpu.memref_squeeze %dma_wait3A_114 : memref<1x128x128xf32, #tpu.memory_space<vmem>> -> memref<128x128xf32, #tpu.memory_space<vmem>>
        %dma_wait3A_116 = arith.constant 0 : i32
        %dma_wait3A_117 = tpu.memref_slice %arg4[%mul3A_110, %dma_wait3A_116] : memref<100000x128xf32, #tpu.memory_space<hbm>> -> memref<128x128xf32, #tpu.memory_space<hbm>>
        %dma_wait3A_118 = tpu.memref_slice %arg8[%dma_wait3A_111] : memref<6x!tpu.dma_semaphore, #tpu.memory_space<semaphore_mem>> -> memref<1x!tpu.dma_semaphore, #tpu.memory_space<semaphore_mem>>
        %dma_wait3A_119 = tpu.memref_squeeze %dma_wait3A_118 : memref<1x!tpu.dma_semaphore, #tpu.memory_space<semaphore_mem>> -> memref<!tpu.dma_semaphore, #tpu.memory_space<semaphore_mem>>
        %dma_wait3A_120 = arith.constant 0 : i32
        %dma_wait3A_121 = tpu.memref_slice %arg4[%mul3A_110, %dma_wait3A_120] : memref<100000x128xf32, #tpu.memory_space<hbm>> -> memref<128x128xf32, #tpu.memory_space<hbm>>
        %dma_wait3A_122 = arith.constant 0 : i32
        %dma_wait3A_123 = arith.constant 0 : i32
        %dma_wait3A_124 = tpu.memref_slice %arg6[%dma_wait3A, %dma_wait3A_122, %dma_wait3A_123] : memref<6x128x128xf32, #tpu.memory_space<vmem>> -> memref<1x128x128xf32, #tpu.memory_space<vmem>>
        %dma_wait3A_125 = tpu.memref_squeeze %dma_wait3A_124 : memref<1x128x128xf32, #tpu.memory_space<vmem>> -> memref<128x128xf32, #tpu.memory_space<vmem>>
        tpu.wait_dma2 semaphore(%dma_wait3A_119 : memref<!tpu.dma_semaphore, #tpu.memory_space<semaphore_mem>>) src(%dma_wait3A_125 : memref<128x128xf32, #tpu.memory_space<vmem>>) dst(%dma_wait3A_121 : memref<128x128xf32, #tpu.memory_space<hbm>>)
      } else {
      }
    } else {
    }
    %not3A_61 = arith.constant true
    %not3A_62 = arith.xori %eq3A_0, %not3A_61 : i1
    %convert_element_type3A_63 = arith.extui %not3A_62 : i1 to i32
    %cond3A_64 = arith.constant 0 : i32
    %cond3A_65 = arith.cmpi ne, %convert_element_type3A_63, %cond3A_64 : i32
    scf.if %cond3A_65 {
      %add3A_66 = arith.constant 15 : i32
      %add3A_67 = arith.addi %select_n3A_6, %add3A_66 : i32
      %lt3A = arith.constant 781 : i32
      %lt3A_68 = arith.cmpi slt, %add3A_67, %lt3A : i32
      %convert_element_type3A_69 = arith.extui %lt3A_68 : i1 to i32
      %cond3A_70 = arith.constant 0 : i32
      %cond3A_71 = arith.cmpi ne, %convert_element_type3A_69, %cond3A_70 : i32
      scf.if %cond3A_71 {
        %add3A_107 = arith.constant 15 : i32
        %add3A_108 = arith.addi %select_n3A_6, %add3A_107 : i32
        %mul3A_109 = arith.constant 128 : i32
        %mul3A_110 = arith.muli %add3A_108, %mul3A_109 : i32
        %dma_wait3A = arith.constant 3 : i32
        %dma_wait3A_111 = arith.constant 3 : i32
        %dma_wait3A_112 = arith.constant 0 : i32
        %dma_wait3A_113 = arith.constant 0 : i32
        %dma_wait3A_114 = tpu.memref_slice %arg6[%dma_wait3A, %dma_wait3A_112, %dma_wait3A_113] : memref<6x128x128xf32, #tpu.memory_space<vmem>> -> memref<1x128x128xf32, #tpu.memory_space<vmem>>
        %dma_wait3A_115 = tpu.memref_squeeze %dma_wait3A_114 : memref<1x128x128xf32, #tpu.memory_space<vmem>> -> memref<128x128xf32, #tpu.memory_space<vmem>>
        %dma_wait3A_116 = arith.constant 0 : i32
        %dma_wait3A_117 = tpu.memref_slice %arg4[%mul3A_110, %dma_wait3A_116] : memref<100000x128xf32, #tpu.memory_space<hbm>> -> memref<128x128xf32, #tpu.memory_space<hbm>>
        %dma_wait3A_118 = tpu.memref_slice %arg8[%dma_wait3A_111] : memref<6x!tpu.dma_semaphore, #tpu.memory_space<semaphore_mem>> -> memref<1x!tpu.dma_semaphore, #tpu.memory_space<semaphore_mem>>
        %dma_wait3A_119 = tpu.memref_squeeze %dma_wait3A_118 : memref<1x!tpu.dma_semaphore, #tpu.memory_space<semaphore_mem>> -> memref<!tpu.dma_semaphore, #tpu.memory_space<semaphore_mem>>
        %dma_wait3A_120 = arith.constant 0 : i32
        %dma_wait3A_121 = tpu.memref_slice %arg4[%mul3A_110, %dma_wait3A_120] : memref<100000x128xf32, #tpu.memory_space<hbm>> -> memref<128x128xf32, #tpu.memory_space<hbm>>
        %dma_wait3A_122 = arith.constant 0 : i32
        %dma_wait3A_123 = arith.constant 0 : i32
        %dma_wait3A_124 = tpu.memref_slice %arg6[%dma_wait3A, %dma_wait3A_122, %dma_wait3A_123] : memref<6x128x128xf32, #tpu.memory_space<vmem>> -> memref<1x128x128xf32, #tpu.memory_space<vmem>>
        %dma_wait3A_125 = tpu.memref_squeeze %dma_wait3A_124 : memref<1x128x128xf32, #tpu.memory_space<vmem>> -> memref<128x128xf32, #tpu.memory_space<vmem>>
        tpu.wait_dma2 semaphore(%dma_wait3A_119 : memref<!tpu.dma_semaphore, #tpu.memory_space<semaphore_mem>>) src(%dma_wait3A_125 : memref<128x128xf32, #tpu.memory_space<vmem>>) dst(%dma_wait3A_121 : memref<128x128xf32, #tpu.memory_space<hbm>>)
      } else {
      }
      %add3A_72 = arith.constant 16 : i32
      %add3A_73 = arith.addi %select_n3A_6, %add3A_72 : i32
      %lt3A_74 = arith.constant 781 : i32
      %lt3A_75 = arith.cmpi slt, %add3A_73, %lt3A_74 : i32
      %convert_element_type3A_76 = arith.extui %lt3A_75 : i1 to i32
      %cond3A_77 = arith.constant 0 : i32
      %cond3A_78 = arith.cmpi ne, %convert_element_type3A_76, %cond3A_77 : i32
      scf.if %cond3A_78 {
        %add3A_107 = arith.constant 16 : i32
        %add3A_108 = arith.addi %select_n3A_6, %add3A_107 : i32
        %mul3A_109 = arith.constant 128 : i32
        %mul3A_110 = arith.muli %add3A_108, %mul3A_109 : i32
        %dma_wait3A = arith.constant 4 : i32
        %dma_wait3A_111 = arith.constant 4 : i32
        %dma_wait3A_112 = arith.constant 0 : i32
        %dma_wait3A_113 = arith.constant 0 : i32
        %dma_wait3A_114 = tpu.memref_slice %arg6[%dma_wait3A, %dma_wait3A_112, %dma_wait3A_113] : memref<6x128x128xf32, #tpu.memory_space<vmem>> -> memref<1x128x128xf32, #tpu.memory_space<vmem>>
        %dma_wait3A_115 = tpu.memref_squeeze %dma_wait3A_114 : memref<1x128x128xf32, #tpu.memory_space<vmem>> -> memref<128x128xf32, #tpu.memory_space<vmem>>
        %dma_wait3A_116 = arith.constant 0 : i32
        %dma_wait3A_117 = tpu.memref_slice %arg4[%mul3A_110, %dma_wait3A_116] : memref<100000x128xf32, #tpu.memory_space<hbm>> -> memref<128x128xf32, #tpu.memory_space<hbm>>
        %dma_wait3A_118 = tpu.memref_slice %arg8[%dma_wait3A_111] : memref<6x!tpu.dma_semaphore, #tpu.memory_space<semaphore_mem>> -> memref<1x!tpu.dma_semaphore, #tpu.memory_space<semaphore_mem>>
        %dma_wait3A_119 = tpu.memref_squeeze %dma_wait3A_118 : memref<1x!tpu.dma_semaphore, #tpu.memory_space<semaphore_mem>> -> memref<!tpu.dma_semaphore, #tpu.memory_space<semaphore_mem>>
        %dma_wait3A_120 = arith.constant 0 : i32
        %dma_wait3A_121 = tpu.memref_slice %arg4[%mul3A_110, %dma_wait3A_120] : memref<100000x128xf32, #tpu.memory_space<hbm>> -> memref<128x128xf32, #tpu.memory_space<hbm>>
        %dma_wait3A_122 = arith.constant 0 : i32
        %dma_wait3A_123 = arith.constant 0 : i32
        %dma_wait3A_124 = tpu.memref_slice %arg6[%dma_wait3A, %dma_wait3A_122, %dma_wait3A_123] : memref<6x128x128xf32, #tpu.memory_space<vmem>> -> memref<1x128x128xf32, #tpu.memory_space<vmem>>
        %dma_wait3A_125 = tpu.memref_squeeze %dma_wait3A_124 : memref<1x128x128xf32, #tpu.memory_space<vmem>> -> memref<128x128xf32, #tpu.memory_space<vmem>>
        tpu.wait_dma2 semaphore(%dma_wait3A_119 : memref<!tpu.dma_semaphore, #tpu.memory_space<semaphore_mem>>) src(%dma_wait3A_125 : memref<128x128xf32, #tpu.memory_space<vmem>>) dst(%dma_wait3A_121 : memref<128x128xf32, #tpu.memory_space<hbm>>)
      } else {
      }
      %add3A_79 = arith.constant 17 : i32
      %add3A_80 = arith.addi %select_n3A_6, %add3A_79 : i32
      %lt3A_81 = arith.constant 781 : i32
      %lt3A_82 = arith.cmpi slt, %add3A_80, %lt3A_81 : i32
      %convert_element_type3A_83 = arith.extui %lt3A_82 : i1 to i32
      %cond3A_84 = arith.constant 0 : i32
      %cond3A_85 = arith.cmpi ne, %convert_element_type3A_83, %cond3A_84 : i32
      scf.if %cond3A_85 {
        %add3A_107 = arith.constant 17 : i32
        %add3A_108 = arith.addi %select_n3A_6, %add3A_107 : i32
        %mul3A_109 = arith.constant 128 : i32
        %mul3A_110 = arith.muli %add3A_108, %mul3A_109 : i32
        %dma_wait3A = arith.constant 5 : i32
        %dma_wait3A_111 = arith.constant 5 : i32
        %dma_wait3A_112 = arith.constant 0 : i32
        %dma_wait3A_113 = arith.constant 0 : i32
        %dma_wait3A_114 = tpu.memref_slice %arg6[%dma_wait3A, %dma_wait3A_112, %dma_wait3A_113] : memref<6x128x128xf32, #tpu.memory_space<vmem>> -> memref<1x128x128xf32, #tpu.memory_space<vmem>>
        %dma_wait3A_115 = tpu.memref_squeeze %dma_wait3A_114 : memref<1x128x128xf32, #tpu.memory_space<vmem>> -> memref<128x128xf32, #tpu.memory_space<vmem>>
        %dma_wait3A_116 = arith.constant 0 : i32
        %dma_wait3A_117 = tpu.memref_slice %arg4[%mul3A_110, %dma_wait3A_116] : memref<100000x128xf32, #tpu.memory_space<hbm>> -> memref<128x128xf32, #tpu.memory_space<hbm>>
        %dma_wait3A_118 = tpu.memref_slice %arg8[%dma_wait3A_111] : memref<6x!tpu.dma_semaphore, #tpu.memory_space<semaphore_mem>> -> memref<1x!tpu.dma_semaphore, #tpu.memory_space<semaphore_mem>>
        %dma_wait3A_119 = tpu.memref_squeeze %dma_wait3A_118 : memref<1x!tpu.dma_semaphore, #tpu.memory_space<semaphore_mem>> -> memref<!tpu.dma_semaphore, #tpu.memory_space<semaphore_mem>>
        %dma_wait3A_120 = arith.constant 0 : i32
        %dma_wait3A_121 = tpu.memref_slice %arg4[%mul3A_110, %dma_wait3A_120] : memref<100000x128xf32, #tpu.memory_space<hbm>> -> memref<128x128xf32, #tpu.memory_space<hbm>>
        %dma_wait3A_122 = arith.constant 0 : i32
        %dma_wait3A_123 = arith.constant 0 : i32
        %dma_wait3A_124 = tpu.memref_slice %arg6[%dma_wait3A, %dma_wait3A_122, %dma_wait3A_123] : memref<6x128x128xf32, #tpu.memory_space<vmem>> -> memref<1x128x128xf32, #tpu.memory_space<vmem>>
        %dma_wait3A_125 = tpu.memref_squeeze %dma_wait3A_124 : memref<1x128x128xf32, #tpu.memory_space<vmem>> -> memref<128x128xf32, #tpu.memory_space<vmem>>
        tpu.wait_dma2 semaphore(%dma_wait3A_119 : memref<!tpu.dma_semaphore, #tpu.memory_space<semaphore_mem>>) src(%dma_wait3A_125 : memref<128x128xf32, #tpu.memory_space<vmem>>) dst(%dma_wait3A_121 : memref<128x128xf32, #tpu.memory_space<hbm>>)
      } else {
      }
      %add3A_86 = arith.constant 18 : i32
      %add3A_87 = arith.addi %select_n3A_6, %add3A_86 : i32
      %lt3A_88 = arith.constant 781 : i32
      %lt3A_89 = arith.cmpi slt, %add3A_87, %lt3A_88 : i32
      %convert_element_type3A_90 = arith.extui %lt3A_89 : i1 to i32
      %cond3A_91 = arith.constant 0 : i32
      %cond3A_92 = arith.cmpi ne, %convert_element_type3A_90, %cond3A_91 : i32
      scf.if %cond3A_92 {
        %add3A_107 = arith.constant 18 : i32
        %add3A_108 = arith.addi %select_n3A_6, %add3A_107 : i32
        %mul3A_109 = arith.constant 128 : i32
        %mul3A_110 = arith.muli %add3A_108, %mul3A_109 : i32
        %dma_wait3A = arith.constant 0 : i32
        %dma_wait3A_111 = arith.constant 0 : i32
        %dma_wait3A_112 = arith.constant 0 : i32
        %dma_wait3A_113 = arith.constant 0 : i32
        %dma_wait3A_114 = tpu.memref_slice %arg6[%dma_wait3A, %dma_wait3A_112, %dma_wait3A_113] : memref<6x128x128xf32, #tpu.memory_space<vmem>> -> memref<1x128x128xf32, #tpu.memory_space<vmem>>
        %dma_wait3A_115 = tpu.memref_squeeze %dma_wait3A_114 : memref<1x128x128xf32, #tpu.memory_space<vmem>> -> memref<128x128xf32, #tpu.memory_space<vmem>>
        %dma_wait3A_116 = arith.constant 0 : i32
        %dma_wait3A_117 = tpu.memref_slice %arg4[%mul3A_110, %dma_wait3A_116] : memref<100000x128xf32, #tpu.memory_space<hbm>> -> memref<128x128xf32, #tpu.memory_space<hbm>>
        %dma_wait3A_118 = tpu.memref_slice %arg8[%dma_wait3A_111] : memref<6x!tpu.dma_semaphore, #tpu.memory_space<semaphore_mem>> -> memref<1x!tpu.dma_semaphore, #tpu.memory_space<semaphore_mem>>
        %dma_wait3A_119 = tpu.memref_squeeze %dma_wait3A_118 : memref<1x!tpu.dma_semaphore, #tpu.memory_space<semaphore_mem>> -> memref<!tpu.dma_semaphore, #tpu.memory_space<semaphore_mem>>
        %dma_wait3A_120 = arith.constant 0 : i32
        %dma_wait3A_121 = tpu.memref_slice %arg4[%mul3A_110, %dma_wait3A_120] : memref<100000x128xf32, #tpu.memory_space<hbm>> -> memref<128x128xf32, #tpu.memory_space<hbm>>
        %dma_wait3A_122 = arith.constant 0 : i32
        %dma_wait3A_123 = arith.constant 0 : i32
        %dma_wait3A_124 = tpu.memref_slice %arg6[%dma_wait3A, %dma_wait3A_122, %dma_wait3A_123] : memref<6x128x128xf32, #tpu.memory_space<vmem>> -> memref<1x128x128xf32, #tpu.memory_space<vmem>>
        %dma_wait3A_125 = tpu.memref_squeeze %dma_wait3A_124 : memref<1x128x128xf32, #tpu.memory_space<vmem>> -> memref<128x128xf32, #tpu.memory_space<vmem>>
        tpu.wait_dma2 semaphore(%dma_wait3A_119 : memref<!tpu.dma_semaphore, #tpu.memory_space<semaphore_mem>>) src(%dma_wait3A_125 : memref<128x128xf32, #tpu.memory_space<vmem>>) dst(%dma_wait3A_121 : memref<128x128xf32, #tpu.memory_space<hbm>>)
      } else {
      }
      %add3A_93 = arith.constant 19 : i32
      %add3A_94 = arith.addi %select_n3A_6, %add3A_93 : i32
      %lt3A_95 = arith.constant 781 : i32
      %lt3A_96 = arith.cmpi slt, %add3A_94, %lt3A_95 : i32
      %convert_element_type3A_97 = arith.extui %lt3A_96 : i1 to i32
      %cond3A_98 = arith.constant 0 : i32
      %cond3A_99 = arith.cmpi ne, %convert_element_type3A_97, %cond3A_98 : i32
      scf.if %cond3A_99 {
        %add3A_107 = arith.constant 19 : i32
        %add3A_108 = arith.addi %select_n3A_6, %add3A_107 : i32
        %mul3A_109 = arith.constant 128 : i32
        %mul3A_110 = arith.muli %add3A_108, %mul3A_109 : i32
        %dma_wait3A = arith.constant 1 : i32
        %dma_wait3A_111 = arith.constant 1 : i32
        %dma_wait3A_112 = arith.constant 0 : i32
        %dma_wait3A_113 = arith.constant 0 : i32
        %dma_wait3A_114 = tpu.memref_slice %arg6[%dma_wait3A, %dma_wait3A_112, %dma_wait3A_113] : memref<6x128x128xf32, #tpu.memory_space<vmem>> -> memref<1x128x128xf32, #tpu.memory_space<vmem>>
        %dma_wait3A_115 = tpu.memref_squeeze %dma_wait3A_114 : memref<1x128x128xf32, #tpu.memory_space<vmem>> -> memref<128x128xf32, #tpu.memory_space<vmem>>
        %dma_wait3A_116 = arith.constant 0 : i32
        %dma_wait3A_117 = tpu.memref_slice %arg4[%mul3A_110, %dma_wait3A_116] : memref<100000x128xf32, #tpu.memory_space<hbm>> -> memref<128x128xf32, #tpu.memory_space<hbm>>
        %dma_wait3A_118 = tpu.memref_slice %arg8[%dma_wait3A_111] : memref<6x!tpu.dma_semaphore, #tpu.memory_space<semaphore_mem>> -> memref<1x!tpu.dma_semaphore, #tpu.memory_space<semaphore_mem>>
        %dma_wait3A_119 = tpu.memref_squeeze %dma_wait3A_118 : memref<1x!tpu.dma_semaphore, #tpu.memory_space<semaphore_mem>> -> memref<!tpu.dma_semaphore, #tpu.memory_space<semaphore_mem>>
        %dma_wait3A_120 = arith.constant 0 : i32
        %dma_wait3A_121 = tpu.memref_slice %arg4[%mul3A_110, %dma_wait3A_120] : memref<100000x128xf32, #tpu.memory_space<hbm>> -> memref<128x128xf32, #tpu.memory_space<hbm>>
        %dma_wait3A_122 = arith.constant 0 : i32
        %dma_wait3A_123 = arith.constant 0 : i32
        %dma_wait3A_124 = tpu.memref_slice %arg6[%dma_wait3A, %dma_wait3A_122, %dma_wait3A_123] : memref<6x128x128xf32, #tpu.memory_space<vmem>> -> memref<1x128x128xf32, #tpu.memory_space<vmem>>
        %dma_wait3A_125 = tpu.memref_squeeze %dma_wait3A_124 : memref<1x128x128xf32, #tpu.memory_space<vmem>> -> memref<128x128xf32, #tpu.memory_space<vmem>>
        tpu.wait_dma2 semaphore(%dma_wait3A_119 : memref<!tpu.dma_semaphore, #tpu.memory_space<semaphore_mem>>) src(%dma_wait3A_125 : memref<128x128xf32, #tpu.memory_space<vmem>>) dst(%dma_wait3A_121 : memref<128x128xf32, #tpu.memory_space<hbm>>)
      } else {
      }
      %add3A_100 = arith.constant 20 : i32
      %add3A_101 = arith.addi %select_n3A_6, %add3A_100 : i32
      %lt3A_102 = arith.constant 781 : i32
      %lt3A_103 = arith.cmpi slt, %add3A_101, %lt3A_102 : i32
      %convert_element_type3A_104 = arith.extui %lt3A_103 : i1 to i32
      %cond3A_105 = arith.constant 0 : i32
      %cond3A_106 = arith.cmpi ne, %convert_element_type3A_104, %cond3A_105 : i32
      scf.if %cond3A_106 {
        %add3A_107 = arith.constant 20 : i32
        %add3A_108 = arith.addi %select_n3A_6, %add3A_107 : i32
        %mul3A_109 = arith.constant 128 : i32
        %mul3A_110 = arith.muli %add3A_108, %mul3A_109 : i32
        %dma_wait3A = arith.constant 2 : i32
        %dma_wait3A_111 = arith.constant 2 : i32
        %dma_wait3A_112 = arith.constant 0 : i32
        %dma_wait3A_113 = arith.constant 0 : i32
        %dma_wait3A_114 = tpu.memref_slice %arg6[%dma_wait3A, %dma_wait3A_112, %dma_wait3A_113] : memref<6x128x128xf32, #tpu.memory_space<vmem>> -> memref<1x128x128xf32, #tpu.memory_space<vmem>>
        %dma_wait3A_115 = tpu.memref_squeeze %dma_wait3A_114 : memref<1x128x128xf32, #tpu.memory_space<vmem>> -> memref<128x128xf32, #tpu.memory_space<vmem>>
        %dma_wait3A_116 = arith.constant 0 : i32
        %dma_wait3A_117 = tpu.memref_slice %arg4[%mul3A_110, %dma_wait3A_116] : memref<100000x128xf32, #tpu.memory_space<hbm>> -> memref<128x128xf32, #tpu.memory_space<hbm>>
        %dma_wait3A_118 = tpu.memref_slice %arg8[%dma_wait3A_111] : memref<6x!tpu.dma_semaphore, #tpu.memory_space<semaphore_mem>> -> memref<1x!tpu.dma_semaphore, #tpu.memory_space<semaphore_mem>>
        %dma_wait3A_119 = tpu.memref_squeeze %dma_wait3A_118 : memref<1x!tpu.dma_semaphore, #tpu.memory_space<semaphore_mem>> -> memref<!tpu.dma_semaphore, #tpu.memory_space<semaphore_mem>>
        %dma_wait3A_120 = arith.constant 0 : i32
        %dma_wait3A_121 = tpu.memref_slice %arg4[%mul3A_110, %dma_wait3A_120] : memref<100000x128xf32, #tpu.memory_space<hbm>> -> memref<128x128xf32, #tpu.memory_space<hbm>>
        %dma_wait3A_122 = arith.constant 0 : i32
        %dma_wait3A_123 = arith.constant 0 : i32
        %dma_wait3A_124 = tpu.memref_slice %arg6[%dma_wait3A, %dma_wait3A_122, %dma_wait3A_123] : memref<6x128x128xf32, #tpu.memory_space<vmem>> -> memref<1x128x128xf32, #tpu.memory_space<vmem>>
        %dma_wait3A_125 = tpu.memref_squeeze %dma_wait3A_124 : memref<1x128x128xf32, #tpu.memory_space<vmem>> -> memref<128x128xf32, #tpu.memory_space<vmem>>
        tpu.wait_dma2 semaphore(%dma_wait3A_119 : memref<!tpu.dma_semaphore, #tpu.memory_space<semaphore_mem>>) src(%dma_wait3A_125 : memref<128x128xf32, #tpu.memory_space<vmem>>) dst(%dma_wait3A_121 : memref<128x128xf32, #tpu.memory_space<hbm>>)
      } else {
      }
    } else {
    }
    return
  }
}

</mosaic_0001>

<sc_bundles>
// kernel: kernel.3.cloned.1.call-start
scs
__scs_entry_jumppad:
0x0: {  	(pc) =	sbr.rel $0x88, $3  }
0x1: {  	(tag) =	ssettag $0x0;
	lr =	simm.s32 $0x1  }
0x2: {  	[smem:$0x3F9F] =	sst lr;
	_ =	strace $0xD0000000  }
0x3: {  	_ = 	snop  }
0x4: {  	_ = 	snop  }
0x5: {  	_ = 	snop  }
0x6: {  	_ = 	snop  }
0x7: {  	_ = 	snop  }
__scs_overlays_trampoline_lowered:
0x8: {  	[smem:$0x3FAE] =	sst s0  }
0x9: {  	[smem:$0x3FAF] =	sst s1  }
0xa: {  	[smem:$0x3FB0] =	sst s2  }
0xb: {  	[smem:$0x3FB1] =	sst s3  }
0xc: {  	[smem:$0x3FB2] =	sst s4  }
0xd: {  	[smem:$0x3FB3] =	sst s5  }
0xe: {  	[smem:$0x3FB4] =	sst s6  }
0xf: {  	[smem:$0x3FB5] =	sst s7  }
0x10: {  	[smem:$0x3FB6] =	sst s8  }
0x11: {  	[smem:$0x3FB7] =	sst s9;
	s0 =	simm.s32 @!p0 $0x0  }
0x12: {  	s1 =	sld [smem:$0x3F9D];
	s0 =	simm.s32 @p0 $0x1  }
0x13: {  	[smem:$0x3FB8] =	sst s0;
	s0 =	simm.s32 @!p1 $0x0  }
0x14: {  	s2 =	sld [smem:$0x3F9C];
	s0 =	simm.s32 @p1 $0x1  }
0x15: {  	[smem:$0x3FB9] =	sst s0;
	s0 =	simm.s32 @!p2 $0x0  }
0x16: {  	s3 =	sld [smem:$0x3FDB];
	s0 =	simm.s32 @p2 $0x1  }
0x17: {  	s4 =	simm.s32 $0x1BF5;
	[smem:$0x3FBB] =	sst s0  }
0x18: {  	s0 =	sld [smem:$0x3F9E];
	_ =	swait.ge [sflag:s4], $0x0  }
0x19: {  	s7 =	sld [smem:$0x3F9F]  }
0x1a: {  	s8 =	sadd.s32 $0xFFFFE003, lr  }
0x1b: {  	s9 =	sadd.s32 $0xFFFFFEF7, lr;
	s5 =	simm.s32 $0xFFFFFFFF;
	p2 =	slt.u32 s8, $0xFFFFF086  }
0x1c: {  	p1 =	slt.u32 s9, $0xF7A;
	s5 =	simm.s32 @!p2 $0x0  }
0x1d: {  	s5 =	simm.s32 @p1 $0x1;
	p0 =	seq.s32 s7, s2  }
0x1e: {  	s7 =	smul.u32 @!p0 $0xF7A, s2;
	p2 =	seq.s32 @!p0 s5, $0x0  }
0x1f: {  	s9 =	smul.u32 $0xF7A, s1;
	s8 =	simm.s32 @!p0 $0x1BF5;
	p2 =	por !p2, p0  }
0x20: {  	[sflag:s8] =	ssyncset.s32 @!p0 $0xFFFFF086;
	s6 =	sadd.s32 @!p0 s3, s7;
	s7 =	simm.s32 @!p0 $0x108  }
0x21: {  	s3 =	sadd.s32 s3, s9;
	s6 =	sadd.s32 @!p0 $0x88, s6;
	s7 =	simm.s32 @p2 $0x1082  }
0x22: {  	[simem:s7], [sflag:s8] =	dma.local @!p0 [hbm:s6], $0xF7A  }
0x23: {  	s9 =	sor.u32 $0xD0000000, s2;
	s6 =	simm.s32 $0x108;
	_ =	swait.ge @!p0 [sflag:s8], $0x0  }
0x24: {  	s3 =	sadd.s32 $0x88, s3;
	s6 =	simm.s32 @!p1 $0x1082;
	[sflag:s4] =	ssyncset.s32 $0xFFFFF086  }
0x25: {  	[simem:s6], [sflag:s4] =	dma.local [hbm:s3], $0xF7A  }
0x26: {  	[smem:$0x3F9F] =	sst s1;
	(tag) =	ssettag s2;
	_ =	strace s9  }
0x27: {  	s1 =	sld [smem:$0x3FAF]  }
0x28: {  	s2 =	sld [smem:$0x3FB0]  }
0x29: {  	s4 =	sld [smem:$0x3FB2]  }
0x2a: {  	p0 =	seq.s32 s5, $0x0;
	s5 =	sld [smem:$0x3FB3]  }
0x2b: {  	s6 =	sld [smem:$0x3FB4]  }
0x2c: {  	s7 =	sld [smem:$0x3FB5]  }
0x2d: {  	s3 =	simm.s32 $0x108;
	s8 =	sld [smem:$0x3FB6]  }
0x2e: {  	s3 =	simm.s32 @!p0 $0x1082;
	s9 =	sld [smem:$0x3FB7]  }
0x2f: {  	lr =	sadd.s32 s0, s3;
	s0 =	sld [smem:$0x3FAE]  }
0x30: {  	s3 =	sld [smem:$0x3FB1]  }
0x31: {  	[smem:$0x3FBA] =	sst s10  }
0x32: {  	s10 =	sld [smem:$0x3FB8];
	_ =	sdelay $0x3  }
0x33: {  	p0 =	seq.s32 s10, $0x1;
	s10 =	sld [smem:$0x3FBA];
	_ =	sdelay $0x3  }
0x34: {  	[smem:$0x3FBA] =	sst s10  }
0x35: {  	s10 =	sld [smem:$0x3FB9];
	_ =	sdelay $0x3  }
0x36: {  	p1 =	seq.s32 s10, $0x1;
	s10 =	sld [smem:$0x3FBA];
	_ =	sdelay $0x3  }
0x37: {  	[smem:$0x3FBA] =	sst s10  }
0x38: {  	s10 =	sld [smem:$0x3FBB]  }
0x39: {  	_ = 	snop;
	(pc) =	sbr.ind lr, $3  }
0x3a: {  	_ = 	snop  }
0x3b: {  	_ = 	snop  }
0x3c: {  	p2 =	seq.s32 s10, $0x1;
	s10 =	sld [smem:$0x3FBA]  }
0x3d: {  	_ =	shalt  }
0x3e: {  	_ =	shalt  }
0x3f: {  	_ =	shalt  }
0x40: {  	_ =	shalt  }
0x41: {  	_ =	shalt  }
0x42: {  	_ =	shalt  }
0x43: {  	_ =	shalt  }
0x44: {  	_ =	shalt  }
0x45: {  	_ =	shalt  }
0x46: {  	_ =	shalt  }
0x47: {  	_ =	shalt  }
0x48: {  	_ =	shalt  }
0x49: {  	_ =	shalt  }
0x4a: {  	_ =	shalt  }
0x4b: {  	_ =	shalt  }
0x4c: {  	_ =	shalt  }
0x4d: {  	_ =	shalt  }
0x4e: {  	_ =	shalt  }
0x4f: {  	_ =	shalt  }
0x50: {  	_ =	shalt  }
0x51: {  	_ =	shalt  }
0x52: {  	_ =	shalt  }
0x53: {  	_ =	shalt  }
0x54: {  	_ =	shalt  }
0x55: {  	_ =	shalt  }
0x56: {  	_ =	shalt  }
0x57: {  	_ =	shalt  }
0x58: {  	_ =	shalt  }
0x59: {  	_ =	shalt  }
0x5a: {  	_ =	shalt  }
0x5b: {  	_ =	shalt  }
0x5c: {  	_ =	shalt  }
0x5d: {  	_ =	shalt  }
0x5e: {  	_ =	shalt  }
0x5f: {  	_ =	shalt  }
0x60: {  	_ =	shalt  }
0x61: {  	_ =	shalt  }
0x62: {  	_ =	shalt  }
0x63: {  	_ =	shalt  }
0x64: {  	_ =	shalt  }
0x65: {  	_ =	shalt  }
0x66: {  	_ =	shalt  }
0x67: {  	_ =	shalt  }
0x68: {  	_ =	shalt  }
0x69: {  	_ =	shalt  }
0x6a: {  	_ =	shalt  }
0x6b: {  	_ =	shalt  }
0x6c: {  	_ =	shalt  }
0x6d: {  	_ =	shalt  }
0x6e: {  	_ =	shalt  }
0x6f: {  	_ =	shalt  }
0x70: {  	_ =	shalt  }
0x71: {  	_ =	shalt  }
0x72: {  	_ =	shalt  }
0x73: {  	_ =	shalt  }
0x74: {  	_ =	shalt  }
0x75: {  	_ =	shalt  }
0x76: {  	_ =	shalt  }
0x77: {  	_ =	shalt  }
0x78: {  	_ =	shalt  }
0x79: {  	_ =	shalt  }
0x7a: {  	_ =	shalt  }
0x7b: {  	_ =	shalt  }
0x7c: {  	_ =	shalt  }
0x7d: {  	_ =	shalt  }
0x7e: {  	_ =	shalt  }
0x7f: {  	_ =	shalt  }
0x80: {  	_ =	shalt  }
0x81: {  	_ =	shalt  }
0x82: {  	_ =	shalt  }
0x83: {  	_ =	shalt  }
0x84: {  	_ =	shalt  }
0x85: {  	_ =	shalt  }
0x86: {  	_ =	shalt  }
0x87: {  	_ =	shalt  }
.Lfunc_end0:
.L_simem_size_0:
called_computation_lowered:
.L_overlay_start_0:
0x88: {  	s2 =	sld [smem:$0x3FD9]  }
0x89: {  	s3 =	sld [smem:$0x3FFE];
	_ =	sdelay $0x1  }
0x8a: {  	s1 =	srdreg.scid  }
0x8b: {  	s0 =	sand.u32 $0x1, s1  }
0x8c: {  	s17 =	sshll.u32 s0, $0xA;
	s2 =	sadd.s32 s3, s2  }
0x8d: {  	s2 =	sadd.s32 s2, s17  }
0x8e: {  	[smem:$0x3FC6] =	sst s2  }
0x8f: {  	_ = 	snop  }
0x90: {  	s2 =	sld [smem:$0x3FC8]  }
0x91: {  	s18 =	sld [smem:$0x3FD0];
	(tm) =	ssettm $0x1  }
0x92: {  	s4 =	sld [smem:$0x3FFB];
	_ =	sdelay $0x3  }
0x93: {  	_ =	strace s4  }
0x94: {  	s4 =	sld [smem:$0x3FFC];
	_ =	sdelay $0x3  }
0x95: {  	_ =	strace s4  }
0x96: {  	s4 =	sld [smem:$0x3FFD];
	_ =	sdelay $0x3  }
0x97: {  	_ =	strace s4  }
0x98: {  	_ =	strace $0x8FFFFFFF  }
0x99: {  	s19 =	sld [smem:$0x3FDB];
	_ =	sdelay $0x1  }
0x9a: {  	s5 =	simm.s32 $_scs_section_size  }
0x9b: {  	s6 =	simm.s32 $_size__tile_overlayer_lowered;
	s7 =	simm.s32 $_tile_overlayer_lowered  }
0x9c: {  	s22 =	simm.s32 $0x1BFF;
	s21 =	sshll.u32 s7, $0x1;
	s4 =	sadd.s32 s5, s19  }
0x9d: {  	s8 =	simm.s32 $0x0;
	s20 =	sshll.u32 s6, $0x1;
	s6 =	sadd.s32 s21, s4  }
0x9e: {  	[timem:s8], [sflag:s22] =	dma.local [hbm:s6], s20  }
0x9f: {  	_ =	swait.ge [sflag:s22], s20  }
0xa0: {  	s5 =	ssub.s32 $0x0, s20;
	[sflag:s22] =	ssyncset.done $0x0  }
0xa1: {  	[sflag:s22] =	ssyncadd.s32 s5;
	_ =	sdelay $0x1  }
0xa2: {  	s23 =	simm.s32 $0x1B8B  }
0xa3: {  	_ =	swait.ge [sflag:s23], $0x1  }
0xa4: {  	[sflag:s23] =	ssyncset.done $0x0  }
0xa5: {  	s25 =	simm.s32 $0x1B8E;
	s24 =	sld [smem:$0x3FFE];
	[sflag:s23] =	ssyncadd.s32 $0xFFFFFFFF  }
0xa6: {  	s26 =	simm.s32 $execute0_lowered;
	[smem:$0x3FD2] =	sst s25  }
0xa7: {  	s6 =	sshll.u32 s26, $0x1;
	_ =	strace $0x80000046;
	[dreg:$0x1] =	wrdreg $0xFFFFFFFF  }
0xa8: {  	s28 =	simm.s32 $_size_execute0_lowered;
	s4 =	sadd.s32 s4, s6;
	[dreg:$0x0] =	wrdreg $0x0  }
0xa9: {  	s6 =	sshll.u32 s28, $0x1;
	[dreg:$0x2] =	wrdreg s4  }
0xaa: {  	[dreg:$0x3] =	wrdreg s6  }
0xab: {  	[dreg:$0x4] =	wrdreg $0xC0  }
0xac: {  	_ =	task [dreg:s8], $0x5FFFF  }
0xad: {  	[dreg:$0x1] =	wrdreg $0xFFFFFFFF  }
0xae: {  	[dreg:$0x0] =	wrdreg $0x60  }
0xaf: {  	[dreg:$0x2] =	wrdreg s2  }
0xb0: {  	[dreg:$0x3] =	wrdreg s24  }
0xb1: {  	[dreg:$0x4] =	wrdreg s18  }
0xb2: {  	[dreg:$0x5] =	wrdreg $0x9  }
0xb3: {  	_ =	task.clear_ibuf [dreg:s8], $0x6FFFF;
	_ =	strace $0x90000046  }
0xb4: {  	s29 =	simm.s32 $0x9;
	_ =	strace $0x80000048  }
0xb5: {  	_ =	swait.ge [sflag:s29], $0x1  }
0xb6: {  	[sflag:s29] =	ssyncadd.s32 $0xFFFFFFFF  }
0xb7: {  	_ =	strace $0x90000048  }
0xb8: {  	_ =	sfence  }
0xb9: {  	s30 =	sld [smem:$0x0];
	_ =	sdelay $0x2  }
0xba: {  	s31 =	sshll.u32 s1, $0xD;
	s1 =	sshrl.u32 s1, $0x2  }
0xbb: {  	s3 =	sand.u32 $0x4000, s31;
	s1 =	sadd.s32 s1, s30  }
0xbc: {  	s0 =	sor.u32 s3, s0;
	s1 =	sshll.u32 s1, $0x11  }
0xbd: {  	s0 =	sor.u32 s1, s0  }
0xbe: {  	s0 =	sadd.s32 $0x8F2B, s0  }
0xbf: {  	[sflag:s0] =	ssyncadd.remote.s32 $0x1  }
0xc0: {  	_ =	sfence.sel $0xFFFF  }
0xc1: {  	[dreg:$0x0] =	wrdreg $0xFFFFFFFF;
	(pc) =	sbr.abs _section_cstart, $3  }
0xc2: {  	[dreg:$0x1] =	wrdreg $0xFFFFFFFF  }
0xc3: {  	_ =	task.clear_ibuf [dreg:s8], $0x2FFFF;
	_ =	strace $0x9FFFFFFF  }
0xc4: {  	(tm) =	ssettm $0x7FFFFFFF  }
0xc5: {  	_ =	shalt  }
tec
execute0_lowered:
.L_overlay_start_1:
0x0: {  	(tag) =	ssettag $0x1  }
0x1: {  	s1 =	rddreg [dreg:$0x0]  }
0x2: {  	s8 =	rddreg [dreg:$0x1]  }
0x3: {  	s10 =	rddreg [dreg:$0x2];
	s0 =	simm.s32 $0x0;
	s3 =	srdreg.scid  }
0x4: {  	s4 =	simm.s32 $0x1D;
	s15 =	simm.s32 $0x0;
	[smem:$0x7FF] =	sst s0  }
0x5: {  	s11 =	sand.u32 $0x1, s3;
	s0 =	stileid.u32;
	s12 =	sadd.s32 $0x186800, s10  }
0x6: {  	_ =	strace $0x80000047;
	s5 =	ssub.s32 $0x2, s11;
	p2 =	seq.s32 s11, $0x0  }
0x7: {  	s29 =	smul.u32 $0x15, s0;
	p0 =	seq.s32 s11, $0x1;
	p1 =	seq.s32 s0, $0xF  }
0x8: {  	s7 =	smul.u32 $0x1D0, s0;
	[dreg:$0x4] =	wrdreg s12;
	p1 =	por !p1, !p0  }
0x9: {  	s6 =	sshrl.u32 s5, $0x1;
	p3 =	por !p0, !p0;
	p1 =	por !p1, !p1  }
0xa: {  	s4 =	simm.s32 @!p2 $0x15;
	s9 =	ssub.s32 s5, s6;
	p3 =	por @!p1 p0, p0  }
0xb: {  	s6 =	smul.u32 $0x1D, s0;
	s5 =	sadd.s32 $0x1D0, s29;
	s2 =	simm.s32 @!p3 $0x0  }
0xc: {  	s9 =	smax.u32 s9, $0x1;
	p0 =	sne.s32 s11, $0x0;
	s2 =	simm.s32 @p3 $0x1  }
0xd: {  	s11 =	simm.s32 $0x80;
	[smem:$0x7FA] =	sst s2;
	s2 =	simm.s32 @!p0 $0x0  }
0xe: {  	s5 =	smov.u32 @p2 s6;
	s6 =	sadd.s32 s8, s7;
	s2 =	simm.s32 @p0 $0x1  }
.Ltmp0:
0xf: {  	p0 =	seq.s32 @!p2 s0, $0xF;
	s0 =	simm.s32 @!p2 $0x0;
	(pc) =	sbr.rel .LBB2_1-.Ltmp0, $4  }
0x10: {  	s30 =	sshll.u32 s5, $0x4;
	s0 =	simm.s32 @p2 $0x1;
	p0 =	por p2, !p0  }
0x11: {  	s31 =	sshll.u32 s5, $0xB;
	[smem:$0x7FC] =	sst s0;
	s0 =	simm.s32 @!p0 $0x0  }
0x12: {  	s7 =	sadd.s32 s8, s30;
	[smem:$0x7FB] =	sst s2;
	s0 =	simm.s32 @p0 $0x1  }
0x13: {  	s8 =	sadd.s32 $0x30B0, s8;
	s10 =	sadd.s32 s31, s10;
	[smem:$0x7FD] =	sst s0  }
.LBB2_5:
0x14: {  	s15 =	sadd.s32 $0x1, s15  }
0x15: {  	p0 =	sne.s32 s15, s9  }
.Ltmp1:
0x16: {  	_ = 	snop;
	(pc) =	sbr.rel @!p0 .LBB2_6-.Ltmp1, $1  }
0x17: {  	_ =	sdelay $0x3  }
.LBB2_1:
0x18: {  	s0 =	sld [smem:$0x7FB];
	_ =	sdelay $0x2  }
0x19: {  	p0 =	seq.s32 s0, $0x1  }
0x1a: {  	s16 =	simm.s32 @!p0 $0x0  }
0x1b: {  	[tilespmem:s16], [sflag:$0xD] =	stream.linear.gather @!p0 [hbm4b:s6+s16], $0xE80, $0x38;
	[tilespmem:$0x18E80] =	vst v63  }
0x1c: {  	s16 =	simm.s32 @!p0 $0xD  }
0x1d: {  	_ =	swait.ge @!p0 [sflag:s16], $0xE80  }
0x1e: {  	s23 =	sld [smem:$0x7FA];
	_ =	sdelay $0x1  }
0x1f: {  	[sflag:s16] =	ssyncset.done @!p0 $0x0  }
0x20: {  	[sflag:s16] =	ssyncadd.s32 @!p0 $0xFFFFF180;
	p0 =	seq.s32 s23, $0x1  }
0x21: {  	s16 =	simm.s32 @p0 $0x0  }
0x22: {  	[tilespmem:s16], [sflag:$0xD] =	stream.linear.gather @p0 [hbm4b:s7+s16], $0xA80, $0x38;
	[tilespmem:$0x18E80] =	vst v63  }
0x23: {  	s16 =	simm.s32 @p0 $0xD  }
0x24: {  	_ =	swait.ge @p0 [sflag:s16], $0xA80  }
0x25: {  	[sflag:s16] =	ssyncset.done @p0 $0x0  }
0x26: {  	[sflag:s16] =	ssyncadd.s32 @p0 $0xFFFFF580;
	s16 =	simm.s32 @p1 $0x0  }
0x27: {  	[tilespmem:s16], [sflag:$0xD] =	stream.linear.gather @p1 [hbm4b:s8+s16], $0x120, $0x38;
	[tilespmem:$0x18E80] =	vst v63  }
0x28: {  	s16 =	simm.s32 @p1 $0xD  }
0x29: {  	_ =	swait.ge @p1 [sflag:s16], $0x120  }
0x2a: {  	s25 =	simm.s32 $0x0;
	[sflag:s16] =	ssyncset.done @p1 $0x0  }
0x2b: {  	v0 =	vimm.s32 @p1 $0x0;
	s19 =	smulhi.u32 $0xAAAAAAAB, s25;
	[sflag:s16] =	ssyncadd.s32 @p1 $0xFFFFFEE0  }
0x2c: {  	s24 =	simm.s32 $0xE80;
	s2 =	simm.s32 $0x4E80;
	s26 =	simm.s32 $0x100;
	[tilespmem:$0x120] =	vst @p1 v0  }
0x2d: {  	s3 =	simm.s32 $0x8E80;
	s28 =	simm.s32 $0x3;
	s19 =	sshrl.u32 s19, $0x2;
	[tilespmem:$0x130] =	vst @p1 v0  }
0x2e: {  	s17 =	sadd.s32 $0x0, s5;
	s29 =	smul.u32 $0xFFFFFFE8, s19;
	p0 =	sle.u32 s4, $0x3;
	[tilespmem:$0x140] =	vst @p1 v0  }
0x2f: {  	s22 =	simm.s32 $0x180;
	s31 =	smul.u32 $0xFFFA0000, s19;
	p2 =	por @!p0 $0x1, $0x1;
	[tilespmem:$0x150] =	vst @p1 v0  }
0x30: {  	s19 =	simm.s32 $0x4E80;
	s30 =	sshra.s32 s29, $0x2;
	p4 =	por p2, p0;
	[tilespmem:$0x160] =	vst @p1 v0  }
0x31: {  	s23 =	sadd.s32 $0xFFFFFCF3, s17;
	p4 =	sgt.u32 @!p4 s17, $0x30F;
	s16 =	smulhi.u32 $0xAAAAAAAB, s28;
	[tilespmem:$0x170] =	vst @p1 v0  }
0x32: {  	[tilespmem:s24], [sflag:$0x1] =	stream.indirect.gather [hbm4b:s1+s11], $0x80, s25, s11, $0xb8;
	[tilespmem:$0x18E80] =	vst v63  }
0x33: {  	s20 =	sadd.s32 @!p0 $0x0, s5;
	p2 =	por @!p0 p4, p2;
	s16 =	sshrl.u32 s16, $0x2  }
0x34: {  	s20 =	sadd.s32 @!p0 $0x3, s20;
	p4 =	por p2, p0;
	s18 =	smul.u32 $0xFFFFFFE8, s16  }
0x35: {  	[tilespmem:s2], [sflag:$0x2] =	stream.indirect.gather [hbm4b:s1+s11], $0x80, s11, s11, $0xb8;
	[tilespmem:$0x18E80] =	vst v63  }
0x36: {  	p2 =	sgt.u32 @!p0 s20, $0x30D;
	s16 =	smul.u32 $0xFFFA0000, s16;
	s18 =	sshra.s32 s18, $0x2  }
0x37: {  	[tilespmem:s3], [sflag:$0x3] =	stream.indirect.gather [hbm4b:s1+s11], $0x80, s26, s11, $0xb8;
	[tilespmem:$0x18E80] =	vst v63  }
0x38: {  	p6 =	sne.s32 s23, $0x0;
	p2 =	por p2, p0;
	s21 =	sadd.s32 $0xA, s18  }
0x39: {  	p0 =	sgt.u32 s17, $0x30D;
	s16 =	sshra.s32 s16, $0x2;
	s21 =	sadd.s32 @!p4 $0x0, s21  }
0x3a: {  	s20 =	simm.s32 @!p2 $0x80;
	s16 =	sadd.s32 $0xCE80, s16;
	_ =	swait.ge @!p4 [sflag:s21], $0x4000  }
0x3b: {  	s17 =	sadd.s32 $0x4, s18;
	s18 =	sor.u32 $0x1, s30;
	[sflag:s21] =	ssyncset.done @!p4 $0x0  }
0x3c: {  	s17 =	sadd.s32 @!p2 $0x0, s17;
	s18 =	sadd.s32 @!p0 $0x0, s18;
	[sflag:s21] =	ssyncadd.s32 @!p4 $0xFFFFC000  }
0x3d: {  	[tilespmem:s16], [sflag:s17] =	stream.indirect.gather @!p2 [hbm4b:s1+s20], $0x80, s22, s20, $0xb8;
	[tilespmem:$0x18E80] =	vst v63  }
0x3e: {  	s26 =	simm.s32 @!p6 $0xD;
	s21 =	sadd.s32 $0x7, s30;
	_ =	swait.ge @!p0 [sflag:s18], $0x4000  }
0x3f: {  	p2 =	seq.s32 @!p0 s23, $0x0;
	s16 =	simm.s32 $0x1;
	[sflag:s18] =	ssyncset.done @!p0 $0x0  }
0x40: {  	p2 =	por p2, p0;
	[sflag:s18] =	ssyncadd.s32 @!p0 $0xFFFFC000;
	p0 =	sne.s32 s4, $0x1  }
.Ltmp2:
0x41: {  	s17 =	simm.s32 $0x200;
	s22 =	sshra.s32 s31, $0x2;
	(pc) =	sbr.rel @!p0 .LBB2_3-.Ltmp2, $4  }
0x42: {  	s20 =	simm.s32 $0x10E80;
	s23 =	simm.s32 @!p6 $0x0;
	s24 =	sadd.s32 $0xE80, s22  }
0x43: {  	s21 =	sadd.s32 @!p2 $0x0, s21;
	s22 =	simm.s32 @!p2 $0x0;
	s25 =	rddreg [dreg:$0x4]  }
0x44: {  	[hbm4b:s10+s22] =	stream.linear.scatter @!p2 [tilespmem:s24], [sflag:s21], $0x4000, $0x38;
	[tilespmem:$0x18E80] =	vst v63  }
0x45: {  	s18 =	sadd.s32 $0x800, s10;
	s21 =	simm.s32 $0x4;
	s22 =	simm.s32 $0x4  }
.LBB2_2:
0x46: {  	[hbm4b:s25+s23] =	stream.linear.scatter @!p6 [tilespmem:s24], [sflag:$0xD], $0x1000, $0x38;
	[tilespmem:$0x18E80] =	vst v63  }
0x47: {  	s28 =	smov.u32 s16;
	s25 =	smov.u32 s17  }
0x48: {  	s23 =	smov.u32 s18;
	s16 =	sadd.s32 $0x1, s16;
	s24 =	smov.u32 s19  }
0x49: {  	s29 =	smov.u32 s20;
	s17 =	sadd.s32 $0x80, s17;
	s18 =	sadd.s32 $0x800, s18  }
0x4a: {  	s19 =	sadd.s32 $0x4000, s19;
	s20 =	sadd.s32 $0x4000, s20;
	s31 =	smulhi.u32 $0xAAAAAAAB, s22  }
0x4b: {  	s22 =	sadd.s32 $0x1, s22;
	_ =	swait.ge @!p6 [sflag:s26], $0x1000;
	p5 =	sne.s32 s4, s16  }
0x4c: {  	s12 =	smulhi.u32 $0xAAAAAAAB, s28;
	s30 =	sadd.s32 $0x3, s28;
	s0 =	sadd.s32 s28, s5  }
0x4d: {  	[sflag:s26] =	ssyncset.done @!p6 $0x0;
	p4 =	sge.u32 s30, s4;
	s13 =	sshrl.u32 s31, $0x2  }
0x4e: {  	[sflag:s26] =	ssyncadd.s32 @!p6 $0xFFFFF000;
	s26 =	sshrl.u32 s12, $0x2;
	p0 =	slt.u32 @!p4 s28, $0x3  }
0x4f: {  	s28 =	sadd.s32 @!p4 s28, s5;
	p6 =	sgt.u32 s0, $0x30D;
	s14 =	smul.u32 $0xFFFFFFE8, s13  }
0x50: {  	s30 =	smul.u32 $0xFFFA0000, s13;
	p2 =	por p0, p4;
	s28 =	sadd.s32 @!p4 $0x3, s28  }
0x51: {  	s3 =	sshra.s32 @!p6 s21, $0x2;
	s13 =	smul.u32 $0xFFFFFFE8, s26;
	p3 =	sgt.u32 @!p2 s0, $0x30F  }
0x52: {  	p2 =	sgt.u32 @!p4 s28, $0x30D;
	s0 =	sadd.s32 $0xFFFFFCF3, s0;
	s28 =	sshra.s32 s14, $0x2  }
0x53: {  	s30 =	sshra.s32 s30, $0x2;
	p0 =	por @!p4 p3, p0;
	p3 =	seq.s32 @!p6 s0, $0x0  }
0x54: {  	s12 =	sadd.s32 $0xA, s28;
	s29 =	sadd.s32 s30, s29;
	p2 =	por p2, p4  }
0x55: {  	s28 =	sadd.s32 $0x4, s28;
	s13 =	sshra.s32 s13, $0x2;
	p0 =	por p0, p4  }
0x56: {  	p4 =	por p3, p6;
	s30 =	sshra.s32 @!p2 s21, $0x2;
	s31 =	sshra.s32 @!p0 s21, $0x2  }
0x57: {  	s2 =	sor.u32 $0x1, s13;
	s13 =	sadd.s32 $0x7, s13;
	s12 =	sadd.s32 @!p0 s31, s12  }
0x58: {  	s14 =	sshra.s32 @!p4 s21, $0x2;
	s28 =	sadd.s32 @!p2 s30, s28;
	_ =	swait.ge @!p0 [sflag:s12], $0x4000  }
0x59: {  	s2 =	sadd.s32 @!p6 s3, s2;
	s30 =	smul.u32 $0xFFFA0000, s26;
	[sflag:s12] =	ssyncset.done @!p0 $0x0  }
0x5a: {  	s21 =	sadd.s32 $0x4, s21;
	s31 =	simm.s32 @!p2 $0x80;
	[sflag:s12] =	ssyncadd.s32 @!p0 $0xFFFFC000  }
0x5b: {  	[tilespmem:s29], [sflag:s28] =	stream.indirect.gather @!p2 [hbm4b:s1+s31], $0x80, s25, s31, $0xb8;
	[tilespmem:$0x18E80] =	vst v63  }
.Ltmp3:
0x5c: {  	s3 =	sshra.s32 s30, $0x2;
	_ =	swait.ge @!p6 [sflag:s2], $0x4000;
	(pc) =	sbr.rel @p5 .LBB2_2-.Ltmp3, $4  }
0x5d: {  	s24 =	sadd.s32 s3, s24;
	s12 =	sadd.s32 @!p4 s14, s13;
	[sflag:s2] =	ssyncset.done @!p6 $0x0  }
0x5e: {  	[sflag:s2] =	ssyncadd.s32 @!p6 $0xFFFFC000;
	s2 =	simm.s32 @!p4 $0x0;
	p6 =	sne.s32 s0, $0x0  }
0x5f: {  	[hbm4b:s23+s2] =	stream.linear.scatter @!p4 [tilespmem:s24], [sflag:s12], $0x4000, $0x38;
	[tilespmem:$0x18E80] =	vst v63  }
0x60: {  	s25 =	rddreg [dreg:$0x4];
	s23 =	simm.s32 @!p6 $0x0;
	s26 =	simm.s32 @!p6 $0xD  }
.LBB2_3:
0x61: {  	[hbm4b:s25+s23] =	stream.linear.scatter @!p6 [tilespmem:s24], [sflag:$0xD], $0x1000, $0x38;
	[tilespmem:$0x18E80] =	vst v63  }
0x62: {  	_ =	swait.ge @!p6 [sflag:s26], $0x1000  }
0x63: {  	s0 =	sld [smem:$0x7FD];
	_ =	sdelay $0x2  }
0x64: {  	p0 =	seq.s32 s0, $0x1  }
.Ltmp4:
0x65: {  	_ = 	snop;
	(pc) =	sbr.rel @!p0 .LBB2_5-.Ltmp4, $3  }
0x66: {  	_ =	sdelay $0x1  }
0x67: {  	[sflag:s26] =	ssyncset.done @!p6 $0x0  }
0x68: {  	[sflag:s26] =	ssyncadd.s32 @!p6 $0xFFFFF000  }
0x69: {  	s0 =	sld [smem:$0x7FC];
	_ =	sdelay $0x2  }
0x6a: {  	p0 =	seq.s32 s0, $0x1  }
0x6b: {  	s0 =	simm.s32 @!p0 $0xA  }
0x6c: {  	s0 =	simm.s32 @p0 $0xC  }
0x6d: {  	_ =	swait.ge [sflag:s0], $0x4000  }
0x6e: {  	s2 =	simm.s32 @!p0 $0xB;
	[sflag:s0] =	ssyncset.done $0x0  }
0x6f: {  	s2 =	simm.s32 @p0 $0x7;
	[sflag:s0] =	ssyncadd.s32 $0xFFFFC000  }
0x70: {  	_ =	swait.ge [sflag:s2], $0x4000  }
0x71: {  	s0 =	simm.s32 @!p0 $0xC;
	[sflag:s2] =	ssyncset.done $0x0  }
0x72: {  	s0 =	simm.s32 @p0 $0x8;
	[sflag:s2] =	ssyncadd.s32 $0xFFFFC000  }
0x73: {  	_ =	swait.ge [sflag:s0], $0x4000  }
0x74: {  	s2 =	simm.s32 @!p0 $0x7;
	[sflag:s0] =	ssyncset.done $0x0  }
0x75: {  	s2 =	simm.s32 @p0 $0x9;
	[sflag:s0] =	ssyncadd.s32 $0xFFFFC000  }
0x76: {  	_ =	swait.ge [sflag:s2], $0x4000  }
0x77: {  	s0 =	simm.s32 @!p0 $0x8;
	[sflag:s2] =	ssyncset.done $0x0  }
0x78: {  	s0 =	simm.s32 @p0 $0xA;
	[sflag:s2] =	ssyncadd.s32 $0xFFFFC000  }
0x79: {  	_ =	swait.ge [sflag:s0], $0x4000  }
.Ltmp5:
0x7a: {  	s2 =	simm.s32 @!p0 $0x9;
	[sflag:s0] =	ssyncset.done $0x0;
	(pc) =	sbr.rel .LBB2_5-.Ltmp5, $4  }
0x7b: {  	s2 =	simm.s32 @p0 $0xB;
	[sflag:s0] =	ssyncadd.s32 $0xFFFFC000  }
0x7c: {  	_ =	swait.ge [sflag:s2], $0x4000  }
0x7d: {  	[sflag:s2] =	ssyncset.done $0x0  }
0x7e: {  	[sflag:s2] =	ssyncadd.s32 $0xFFFFC000  }
.LBB2_6:
0x7f: {  	_ =	sfence.sel $0x180000  }
0x80: {  	[bflag:$0x0] =	sbarrier.arrive $0xFFFF  }
0x81: {  	_ =	strace $0x90000047  }
0x82: {  	s0 =	stileid.u32;
	[bflag:$0x2] =	sbarrier.arrive $0xFFFF  }
0x83: {  	p0 =	sne.s32 s0, $0x0;
	s0 =	rddreg [dreg:$0x3]  }
0x84: {  	s0 =	sadd.s32 @!p0 $0x100000, s0  }
0x85: {  	[sflag:s0] =	ssyncadd.tile.s32 @!p0 $0x1;
	_ =	shalt  }
.Lfunc_end2:
_tile_overlayer_lowered:
.L_overlay_start_2:
0x86: {  	(tag) =	ssettag $0x2  }
0x87: {  	s0 =	rddreg [dreg:$0x0];
	s2 =	stileid.u32  }
0x88: {  	s1 =	rddreg [dreg:$0x1];
	p0 =	sne.s32 s2, $0x0  }
0x89: {  	s3 =	rddreg [dreg:$0x2];
	[bflag:$0x3] =	sbarrier.arrive $0xFFFF;
	s2 =	simm.s32 @!p0 $0x1C0D  }
0x8a: {  	[timem:s3], [sflag:s2] =	dma.local @!p0 [hbm:s0], s1  }
0x8b: {  	s0 =	simm.s32 @!p0 $0xD  }
0x8c: {  	_ =	swait.ge @!p0 [sflag:s0], s1  }
0x8d: {  	s1 =	ssub.s32 @!p0 $0x0, s1;
	[sflag:s0] =	ssyncset.done @!p0 $0x0  }
0x8e: {  	[sflag:s0] =	ssyncadd.s32 @!p0 s1  }
0x8f: {  	[bflag:$0x3] =	sbarrier.arrive $0xFFFF  }
0x90: {  	_ =	shalt  }

</sc_bundles>
